<compile_context>
chip_gen: v7x
topology: tpu7x:2x2x1
jax: 0.10.2.dev20260603
libtpu: 0.0.44.dev20260713+nightly
codegen_flags: <defaults>
</compile_context>

<pallas_src>
import jax
import jax.numpy as jnp
from jax import lax
from jax.experimental import pallas as pl
from jax.experimental.pallas import tpu as pltpu
from jax.experimental.pallas import tpu_sc as plsc

B = 16384
NF = 26
VOCAB = 100000
D = 16
NCONT = 10
NCOL = NF * D + NCONT

NW = 32
ROWS_W = B // NW
GR_W = ROWS_W * NF
NBUF = 8

TROWS = 256
CBLK = (NF * D) // 128


def _sc_body(tflat, xcat2, out,
             idx_v, b0, b1, b2, b3, b4, b5, b6, b7, gsem, osem):
    wid = lax.axis_index("c") * 16 + lax.axis_index("s")
    row0 = wid * ROWS_W

    pltpu.sync_copy(xcat2.at[wid], idx_v)

    bufs = [b0, b1, b2, b3, b4, b5, b6, b7]

    def fire_gather(f):
        return pltpu.async_copy(
            tflat.at[idx_v.at[pl.ds(f * ROWS_W, ROWS_W)]],
            bufs[f % NBUF], gsem)

    cps_g = {}
    cps_o = {}
    for f in range(NBUF - 1):
        cps_g[f] = fire_gather(f)

    for f in range(NF):
        cps_g[f].wait()
        cps_o[f] = pltpu.async_copy(
            bufs[f % NBUF],
            out.at[pl.ds(row0, ROWS_W), pl.ds(f * D, D)], osem)
        if f - 1 >= 0:
            cps_o[f - 1].wait()
        if f + NBUF - 1 < NF:
            cps_g[f + NBUF - 1] = fire_gather(f + NBUF - 1)
    cps_o[NF - 1].wait()


def _tc_patch(xc_ref, sh_ref, sc_ref, prev_ref, o_ref):
    cont = (xc_ref[...] - sh_ref[...]) * sc_ref[...]
    blk = prev_ref[...]
    o_ref[...] = blk
    o_ref[:, NF * D - CBLK * 128:NCOL - CBLK * 128] = cont


@jax.jit
def _run(tflat, xcat2, xcont, shift, scale):
    emb = pl.kernel(
        _sc_body,
        out_type=jax.ShapeDtypeStruct((B, NCOL), jnp.float32),
        mesh=plsc.VectorSubcoreMesh(core_axis_name="c", subcore_axis_name="s"),
        scratch_types=[
            pltpu.VMEM((GR_W,), jnp.int32),
            pltpu.VMEM((ROWS_W, D), jnp.float32),
            pltpu.VMEM((ROWS_W, D), jnp.float32),
            pltpu.VMEM((ROWS_W, D), jnp.float32),
            pltpu.VMEM((ROWS_W, D), jnp.float32),
            pltpu.VMEM((ROWS_W, D), jnp.float32),
            pltpu.VMEM((ROWS_W, D), jnp.float32),
            pltpu.VMEM((ROWS_W, D), jnp.float32),
            pltpu.VMEM((ROWS_W, D), jnp.float32),
            pltpu.SemaphoreType.DMA,
            pltpu.SemaphoreType.DMA,
        ],
        compiler_params=pltpu.CompilerParams(use_tc_tiling_on_sc=False),
    )(tflat, xcat2)

    return pl.pallas_call(
        _tc_patch,
        grid=(B // TROWS,),
        in_specs=[
            pl.BlockSpec((TROWS, NCONT), lambda i: (i, 0)),
            pl.BlockSpec((1, NCONT), lambda i: (0, 0)),
            pl.BlockSpec((1, NCONT), lambda i: (0, 0)),
            pl.BlockSpec((TROWS, 128), lambda i: (i, CBLK)),
        ],
        out_specs=pl.BlockSpec((TROWS, 128), lambda i: (i, CBLK)),
        out_shape=jax.ShapeDtypeStruct((B, NCOL), jnp.float32),
        input_output_aliases={3: 0},
    )(xcont, shift, scale, emb)


def kernel(x_cat, x_cont, tables, cont_min, cont_max):
    tflat = tables.reshape(NF * VOCAB, D)
    offs = jnp.arange(NF, dtype=jnp.int32) * VOCAB
    xcat2 = (x_cat.astype(jnp.int32) + offs).reshape(
        NW, ROWS_W, NF).transpose(0, 2, 1).reshape(NW, GR_W)
    shift = cont_min.reshape(1, NCONT)
    scale = (1.0 / (cont_max - cont_min)).reshape(1, NCONT)
    return _run(tflat, xcat2, x_cont, shift, scale)

# --- scband reference (transcript-rebuilt; emitter-appended) ---
"""Pipeline reference for scband-abstract-surrogate-11381663335063 (READ-ONLY COPY).

The authoritative reference and input builder live on the scoring server;
editing this copy changes nothing except your own understanding.
"""

import jax, jax.numpy as jnp
import numpy as np

BATCH = 16384
N_FIELDS = 26
VOCAB = 100000
EMB_DIM = 16
N_CONT = 10


def setup_inputs(seed: int = 0) -> dict:
    key = jax.random.key(seed)
    k1, k2, k3, k4, k5 = jax.random.split(key, 5)
    x_cat = jax.random.randint(k1, (BATCH, N_FIELDS), 0, VOCAB, dtype=jnp.int64) if jax.config.jax_enable_x64 else jax.random.randint(k1, (BATCH, N_FIELDS), 0, VOCAB, dtype=jnp.int32)
    x_cont = jax.random.normal(k2, (BATCH, N_CONT), dtype=jnp.float32)
    # per-field embedding tables, kaiming-uniform-ish init (stacked into one array)
    bound = 1.0 / np.sqrt(EMB_DIM)
    tables = jax.random.uniform(k3, (N_FIELDS, VOCAB, EMB_DIM), dtype=jnp.float32, minval=-bound, maxval=bound)
    # ContTransformerRange parameters: per-column min / max fitted on training data
    cont_min = jax.random.normal(k4, (N_CONT,), dtype=jnp.float32)
    cont_max = cont_min + jnp.abs(jax.random.normal(k5, (N_CONT,), dtype=jnp.float32)) + 1.0
    return {"x_cat": x_cat, "x_cont": x_cont, "tables": tables, "cont_min": cont_min, "cont_max": cont_max}


def reference(x_cat, x_cont, tables, cont_min, cont_max):
    # _embed_features: per-field embedding lookup, x = [e(x_cat[:, i]) for i, e in embds_fct]; cat(x, 1)
    field_idx = jnp.arange(N_FIELDS)
    emb = tables[field_idx[None, :], x_cat]          # [B, N_FIELDS, EMB_DIM] gather
    x = emb.reshape(x_cat.shape[0], N_FIELDS * EMB_DIM)  # torch.cat along dim 1
    # continuous path: ContTransformerRange -> (x - min) / (max - min), each unsqueezed(1) then cat
    xd = (x_cont - cont_min[None, :]) / (cont_max - cont_min)[None, :]  # [B, N_CONT]
    out = jnp.concatenate([x, xd], axis=1)           # [B, N_FIELDS*EMB_DIM + N_CONT]
    return out

if __name__ == "__main__":
    import jax
    _d = setup_inputs()
    print(jax.jit(kernel)(*tuple(_d.values())))

</pallas_src>

<mosaic_0001>
#map = affine_map<(d0, d1) -> (0, 0)>
module attributes {stable_mosaic.version = 14 : i64} {
  func.func @_sc_body(%arg0: i32, %arg1: i32, %arg2: memref<2600000x16xf32, #tpu.memory_space<hbm>>, %arg3: memref<32x13312xi32, #tpu.memory_space<hbm>>, %arg4: memref<16384x426xf32, #tpu.memory_space<hbm>>, %arg5: memref<13312xi32, #tpu.memory_space<vmem>>, %arg6: memref<512x16xf32, #tpu.memory_space<vmem>>, %arg7: memref<512x16xf32, #tpu.memory_space<vmem>>, %arg8: memref<512x16xf32, #tpu.memory_space<vmem>>, %arg9: memref<512x16xf32, #tpu.memory_space<vmem>>, %arg10: memref<512x16xf32, #tpu.memory_space<vmem>>, %arg11: memref<512x16xf32, #tpu.memory_space<vmem>>, %arg12: memref<512x16xf32, #tpu.memory_space<vmem>>, %arg13: memref<512x16xf32, #tpu.memory_space<vmem>>, %arg14: memref<!tpu.dma_semaphore, #tpu.memory_space<semaphore_mem>>, %arg15: memref<!tpu.dma_semaphore, #tpu.memory_space<semaphore_mem>>) attributes {dimension_semantics = [#tpu.dimension_semantics<core_parallel>, #tpu.dimension_semantics<subcore_parallel>], iteration_bounds = array<i64: 2, 16>, scalar_prefetch = 0 : i64, scratch_operands = 11 : i64, tpu.core_type = #tpu.core_type<sc_vector_subcore>, window_params = [{transform_indices = #map}, {transform_indices = #map}, {transform_indices = #map}]} {
    %mul3A = arith.constant 16 : i32
    %mul3A_0 = arith.muli %arg0, %mul3A : i32
    %add3A = arith.addi %mul3A_0, %arg1 : i32
    %mul3A_1 = arith.constant 512 : i32
    %mul3A_2 = arith.muli %add3A, %mul3A_1 : i32
    "tpu.region"() ({
      %run_scoped3A = tpu.sem_alloc : memref<!tpu.dma_semaphore, #tpu.memory_space<semaphore_mem>>
      %dma_start3A_469 = arith.constant 0 : i32
      %dma_start3A_470 = tpu.memref_slice %arg3[%add3A, %dma_start3A_469] : memref<32x13312xi32, #tpu.memory_space<hbm>> -> memref<1x13312xi32, #tpu.memory_space<hbm>>
      %dma_start3A_471 = tpu.memref_squeeze %dma_start3A_470 : memref<1x13312xi32, #tpu.memory_space<hbm>> -> memref<13312xi32, #tpu.memory_space<hbm>>
      %dma_start3A_472 = arith.constant 0 : i32
      %dma_start3A_473 = tpu.memref_slice %arg3[%add3A, %dma_start3A_472] : memref<32x13312xi32, #tpu.memory_space<hbm>> -> memref<1x13312xi32, #tpu.memory_space<hbm>>
      %dma_start3A_474 = tpu.memref_squeeze %dma_start3A_473 : memref<1x13312xi32, #tpu.memory_space<hbm>> -> memref<13312xi32, #tpu.memory_space<hbm>>
      tpu.enqueue_dma source(%dma_start3A_474 : memref<13312xi32, #tpu.memory_space<hbm>>) target(%arg5 : memref<13312xi32, #tpu.memory_space<vmem>>) target_semaphore(%run_scoped3A : memref<!tpu.dma_semaphore, #tpu.memory_space<semaphore_mem>>)
      %dma_wait3A_475 = arith.constant 0 : i32
      %dma_wait3A_476 = tpu.memref_slice %arg3[%add3A, %dma_wait3A_475] : memref<32x13312xi32, #tpu.memory_space<hbm>> -> memref<1x13312xi32, #tpu.memory_space<hbm>>
      %dma_wait3A_477 = tpu.memref_squeeze %dma_wait3A_476 : memref<1x13312xi32, #tpu.memory_space<hbm>> -> memref<13312xi32, #tpu.memory_space<hbm>>
      %dma_wait3A_478 = arith.constant 0 : i32
      %dma_wait3A_479 = tpu.memref_slice %arg3[%add3A, %dma_wait3A_478] : memref<32x13312xi32, #tpu.memory_space<hbm>> -> memref<1x13312xi32, #tpu.memory_space<hbm>>
      %dma_wait3A_480 = tpu.memref_squeeze %dma_wait3A_479 : memref<1x13312xi32, #tpu.memory_space<hbm>> -> memref<13312xi32, #tpu.memory_space<hbm>>
      tpu.wait_dma2 semaphore(%run_scoped3A : memref<!tpu.dma_semaphore, #tpu.memory_space<semaphore_mem>>) src(%dma_wait3A_480 : memref<13312xi32, #tpu.memory_space<hbm>>) dst(%arg5 : memref<13312xi32, #tpu.memory_space<vmem>>)
      tpu.yield
    }) : () -> ()
    %dma_start3A = arith.constant 0 : i32
    %dma_start3A_3 = tpu.memref_slice %arg5[%dma_start3A] : memref<13312xi32, #tpu.memory_space<vmem>> -> memref<512xi32, #tpu.memory_space<vmem>>
    %dma_start3A_4 = arith.constant 0 : i32
    %dma_start3A_5 = arith.constant 0 : i32
    %dma_start3A_6 = tpu.memref_slice %arg2[%dma_start3A_4, %dma_start3A_5] : memref<2600000x16xf32, #tpu.memory_space<hbm>> -> memref<2600000x16xf32, #tpu.memory_space<hbm>>
    tpu.enqueue_indirect_dma source(%dma_start3A_6 : memref<2600000x16xf32, #tpu.memory_space<hbm>>) target(%arg6 : memref<512x16xf32, #tpu.memory_space<vmem>>) offsets(%dma_start3A_3 : memref<512xi32, #tpu.memory_space<vmem>>) semaphore(%arg14 : memref<!tpu.dma_semaphore, #tpu.memory_space<semaphore_mem>>)
    %dma_start3A_7 = arith.constant 512 : i32
    %dma_start3A_8 = tpu.memref_slice %arg5[%dma_start3A_7] : memref<13312xi32, #tpu.memory_space<vmem>> -> memref<512xi32, #tpu.memory_space<vmem>>
    %dma_start3A_9 = arith.constant 0 : i32
    %dma_start3A_10 = arith.constant 0 : i32
    %dma_start3A_11 = tpu.memref_slice %arg2[%dma_start3A_9, %dma_start3A_10] : memref<2600000x16xf32, #tpu.memory_space<hbm>> -> memref<2600000x16xf32, #tpu.memory_space<hbm>>
    tpu.enqueue_indirect_dma source(%dma_start3A_11 : memref<2600000x16xf32, #tpu.memory_space<hbm>>) target(%arg7 : memref<512x16xf32, #tpu.memory_space<vmem>>) offsets(%dma_start3A_8 : memref<512xi32, #tpu.memory_space<vmem>>) semaphore(%arg14 : memref<!tpu.dma_semaphore, #tpu.memory_space<semaphore_mem>>)
    %dma_start3A_12 = arith.constant 1024 : i32
    %dma_start3A_13 = tpu.memref_slice %arg5[%dma_start3A_12] : memref<13312xi32, #tpu.memory_space<vmem>> -> memref<512xi32, #tpu.memory_space<vmem>>
    %dma_start3A_14 = arith.constant 0 : i32
    %dma_start3A_15 = arith.constant 0 : i32
    %dma_start3A_16 = tpu.memref_slice %arg2[%dma_start3A_14, %dma_start3A_15] : memref<2600000x16xf32, #tpu.memory_space<hbm>> -> memref<2600000x16xf32, #tpu.memory_space<hbm>>
    tpu.enqueue_indirect_dma source(%dma_start3A_16 : memref<2600000x16xf32, #tpu.memory_space<hbm>>) target(%arg8 : memref<512x16xf32, #tpu.memory_space<vmem>>) offsets(%dma_start3A_13 : memref<512xi32, #tpu.memory_space<vmem>>) semaphore(%arg14 : memref<!tpu.dma_semaphore, #tpu.memory_space<semaphore_mem>>)
    %dma_start3A_17 = arith.constant 1536 : i32
    %dma_start3A_18 = tpu.memref_slice %arg5[%dma_start3A_17] : memref<13312xi32, #tpu.memory_space<vmem>> -> memref<512xi32, #tpu.memory_space<vmem>>
    %dma_start3A_19 = arith.constant 0 : i32
    %dma_start3A_20 = arith.constant 0 : i32
    %dma_start3A_21 = tpu.memref_slice %arg2[%dma_start3A_19, %dma_start3A_20] : memref<2600000x16xf32, #tpu.memory_space<hbm>> -> memref<2600000x16xf32, #tpu.memory_space<hbm>>
    tpu.enqueue_indirect_dma source(%dma_start3A_21 : memref<2600000x16xf32, #tpu.memory_space<hbm>>) target(%arg9 : memref<512x16xf32, #tpu.memory_space<vmem>>) offsets(%dma_start3A_18 : memref<512xi32, #tpu.memory_space<vmem>>) semaphore(%arg14 : memref<!tpu.dma_semaphore, #tpu.memory_space<semaphore_mem>>)
    %dma_start3A_22 = arith.constant 2048 : i32
    %dma_start3A_23 = tpu.memref_slice %arg5[%dma_start3A_22] : memref<13312xi32, #tpu.memory_space<vmem>> -> memref<512xi32, #tpu.memory_space<vmem>>
    %dma_start3A_24 = arith.constant 0 : i32
    %dma_start3A_25 = arith.constant 0 : i32
    %dma_start3A_26 = tpu.memref_slice %arg2[%dma_start3A_24, %dma_start3A_25] : memref<2600000x16xf32, #tpu.memory_space<hbm>> -> memref<2600000x16xf32, #tpu.memory_space<hbm>>
    tpu.enqueue_indirect_dma source(%dma_start3A_26 : memref<2600000x16xf32, #tpu.memory_space<hbm>>) target(%arg10 : memref<512x16xf32, #tpu.memory_space<vmem>>) offsets(%dma_start3A_23 : memref<512xi32, #tpu.memory_space<vmem>>) semaphore(%arg14 : memref<!tpu.dma_semaphore, #tpu.memory_space<semaphore_mem>>)
    %dma_start3A_27 = arith.constant 2560 : i32
    %dma_start3A_28 = tpu.memref_slice %arg5[%dma_start3A_27] : memref<13312xi32, #tpu.memory_space<vmem>> -> memref<512xi32, #tpu.memory_space<vmem>>
    %dma_start3A_29 = arith.constant 0 : i32
    %dma_start3A_30 = arith.constant 0 : i32
    %dma_start3A_31 = tpu.memref_slice %arg2[%dma_start3A_29, %dma_start3A_30] : memref<2600000x16xf32, #tpu.memory_space<hbm>> -> memref<2600000x16xf32, #tpu.memory_space<hbm>>
    tpu.enqueue_indirect_dma source(%dma_start3A_31 : memref<2600000x16xf32, #tpu.memory_space<hbm>>) target(%arg11 : memref<512x16xf32, #tpu.memory_space<vmem>>) offsets(%dma_start3A_28 : memref<512xi32, #tpu.memory_space<vmem>>) semaphore(%arg14 : memref<!tpu.dma_semaphore, #tpu.memory_space<semaphore_mem>>)
    %dma_start3A_32 = arith.constant 3072 : i32
    %dma_start3A_33 = tpu.memref_slice %arg5[%dma_start3A_32] : memref<13312xi32, #tpu.memory_space<vmem>> -> memref<512xi32, #tpu.memory_space<vmem>>
    %dma_start3A_34 = arith.constant 0 : i32
    %dma_start3A_35 = arith.constant 0 : i32
    %dma_start3A_36 = tpu.memref_slice %arg2[%dma_start3A_34, %dma_start3A_35] : memref<2600000x16xf32, #tpu.memory_space<hbm>> -> memref<2600000x16xf32, #tpu.memory_space<hbm>>
    tpu.enqueue_indirect_dma source(%dma_start3A_36 : memref<2600000x16xf32, #tpu.memory_space<hbm>>) target(%arg12 : memref<512x16xf32, #tpu.memory_space<vmem>>) offsets(%dma_start3A_33 : memref<512xi32, #tpu.memory_space<vmem>>) semaphore(%arg14 : memref<!tpu.dma_semaphore, #tpu.memory_space<semaphore_mem>>)
    %dma_wait3A = arith.constant 0 : i32
    %dma_wait3A_37 = tpu.memref_slice %arg5[%dma_wait3A] : memref<13312xi32, #tpu.memory_space<vmem>> -> memref<512xi32, #tpu.memory_space<vmem>>
    %dma_wait3A_38 = arith.constant 0 : i32
    %dma_wait3A_39 = arith.constant 0 : i32
    %dma_wait3A_40 = tpu.memref_slice %arg2[%dma_wait3A_38, %dma_wait3A_39] : memref<2600000x16xf32, #tpu.memory_space<hbm>> -> memref<2600000x16xf32, #tpu.memory_space<hbm>>
    tpu.wait_indirect_dma semaphore(%arg14 : memref<!tpu.dma_semaphore, #tpu.memory_space<semaphore_mem>>) src(%dma_wait3A_40 : memref<2600000x16xf32, #tpu.memory_space<hbm>>) dst(%arg6 : memref<512x16xf32, #tpu.memory_space<vmem>>)
    %dma_start3A_41 = arith.constant 0 : i32
    %dma_start3A_42 = tpu.memref_slice %arg4[%mul3A_2, %dma_start3A_41] : memref<16384x426xf32, #tpu.memory_space<hbm>> -> memref<512x16xf32, #tpu.memory_space<hbm>>
    %dma_start3A_43 = arith.constant 0 : i32
    %dma_start3A_44 = tpu.memref_slice %arg4[%mul3A_2, %dma_start3A_43] : memref<16384x426xf32, #tpu.memory_space<hbm>> -> memref<512x16xf32, #tpu.memory_space<hbm>>
    tpu.enqueue_dma source(%arg6 : memref<512x16xf32, #tpu.memory_space<vmem>>) target(%dma_start3A_44 : memref<512x16xf32, #tpu.memory_space<hbm>>) target_semaphore(%arg15 : memref<!tpu.dma_semaphore, #tpu.memory_space<semaphore_mem>>)
    %dma_start3A_45 = arith.constant 3584 : i32
    %dma_start3A_46 = tpu.memref_slice %arg5[%dma_start3A_45] : memref<13312xi32, #tpu.memory_space<vmem>> -> memref<512xi32, #tpu.memory_space<vmem>>
    %dma_start3A_47 = arith.constant 0 : i32
    %dma_start3A_48 = arith.constant 0 : i32
    %dma_start3A_49 = tpu.memref_slice %arg2[%dma_start3A_47, %dma_start3A_48] : memref<2600000x16xf32, #tpu.memory_space<hbm>> -> memref<2600000x16xf32, #tpu.memory_space<hbm>>
    tpu.enqueue_indirect_dma source(%dma_start3A_49 : memref<2600000x16xf32, #tpu.memory_space<hbm>>) target(%arg13 : memref<512x16xf32, #tpu.memory_space<vmem>>) offsets(%dma_start3A_46 : memref<512xi32, #tpu.memory_space<vmem>>) semaphore(%arg14 : memref<!tpu.dma_semaphore, #tpu.memory_space<semaphore_mem>>)
    %dma_wait3A_50 = arith.constant 512 : i32
    %dma_wait3A_51 = tpu.memref_slice %arg5[%dma_wait3A_50] : memref<13312xi32, #tpu.memory_space<vmem>> -> memref<512xi32, #tpu.memory_space<vmem>>
    %dma_wait3A_52 = arith.constant 0 : i32
    %dma_wait3A_53 = arith.constant 0 : i32
    %dma_wait3A_54 = tpu.memref_slice %arg2[%dma_wait3A_52, %dma_wait3A_53] : memref<2600000x16xf32, #tpu.memory_space<hbm>> -> memref<2600000x16xf32, #tpu.memory_space<hbm>>
    tpu.wait_indirect_dma semaphore(%arg14 : memref<!tpu.dma_semaphore, #tpu.memory_space<semaphore_mem>>) src(%dma_wait3A_54 : memref<2600000x16xf32, #tpu.memory_space<hbm>>) dst(%arg7 : memref<512x16xf32, #tpu.memory_space<vmem>>)
    %dma_start3A_55 = arith.constant 16 : i32
    %dma_start3A_56 = tpu.memref_slice %arg4[%mul3A_2, %dma_start3A_55] : memref<16384x426xf32, #tpu.memory_space<hbm>> -> memref<512x16xf32, #tpu.memory_space<hbm>>
    %dma_start3A_57 = arith.constant 16 : i32
    %dma_start3A_58 = tpu.memref_slice %arg4[%mul3A_2, %dma_start3A_57] : memref<16384x426xf32, #tpu.memory_space<hbm>> -> memref<512x16xf32, #tpu.memory_space<hbm>>
    tpu.enqueue_dma source(%arg7 : memref<512x16xf32, #tpu.memory_space<vmem>>) target(%dma_start3A_58 : memref<512x16xf32, #tpu.memory_space<hbm>>) target_semaphore(%arg15 : memref<!tpu.dma_semaphore, #tpu.memory_space<semaphore_mem>>)
    %dma_wait3A_59 = arith.constant 0 : i32
    %dma_wait3A_60 = tpu.memref_slice %arg4[%mul3A_2, %dma_wait3A_59] : memref<16384x426xf32, #tpu.memory_space<hbm>> -> memref<512x16xf32, #tpu.memory_space<hbm>>
    %dma_wait3A_61 = arith.constant 0 : i32
    %dma_wait3A_62 = tpu.memref_slice %arg4[%mul3A_2, %dma_wait3A_61] : memref<16384x426xf32, #tpu.memory_space<hbm>> -> memref<512x16xf32, #tpu.memory_space<hbm>>
    tpu.wait_dma2 semaphore(%arg15 : memref<!tpu.dma_semaphore, #tpu.memory_space<semaphore_mem>>) src(%arg6 : memref<512x16xf32, #tpu.memory_space<vmem>>) dst(%dma_wait3A_62 : memref<512x16xf32, #tpu.memory_space<hbm>>)
    %dma_start3A_63 = arith.constant 4096 : i32
    %dma_start3A_64 = tpu.memref_slice %arg5[%dma_start3A_63] : memref<13312xi32, #tpu.memory_space<vmem>> -> memref<512xi32, #tpu.memory_space<vmem>>
    %dma_start3A_65 = arith.constant 0 : i32
    %dma_start3A_66 = arith.constant 0 : i32
    %dma_start3A_67 = tpu.memref_slice %arg2[%dma_start3A_65, %dma_start3A_66] : memref<2600000x16xf32, #tpu.memory_space<hbm>> -> memref<2600000x16xf32, #tpu.memory_space<hbm>>
    tpu.enqueue_indirect_dma source(%dma_start3A_67 : memref<2600000x16xf32, #tpu.memory_space<hbm>>) target(%arg6 : memref<512x16xf32, #tpu.memory_space<vmem>>) offsets(%dma_start3A_64 : memref<512xi32, #tpu.memory_space<vmem>>) semaphore(%arg14 : memref<!tpu.dma_semaphore, #tpu.memory_space<semaphore_mem>>)
    %dma_wait3A_68 = arith.constant 1024 : i32
    %dma_wait3A_69 = tpu.memref_slice %arg5[%dma_wait3A_68] : memref<13312xi32, #tpu.memory_space<vmem>> -> memref<512xi32, #tpu.memory_space<vmem>>
    %dma_wait3A_70 = arith.constant 0 : i32
    %dma_wait3A_71 = arith.constant 0 : i32
    %dma_wait3A_72 = tpu.memref_slice %arg2[%dma_wait3A_70, %dma_wait3A_71] : memref<2600000x16xf32, #tpu.memory_space<hbm>> -> memref<2600000x16xf32, #tpu.memory_space<hbm>>
    tpu.wait_indirect_dma semaphore(%arg14 : memref<!tpu.dma_semaphore, #tpu.memory_space<semaphore_mem>>) src(%dma_wait3A_72 : memref<2600000x16xf32, #tpu.memory_space<hbm>>) dst(%arg8 : memref<512x16xf32, #tpu.memory_space<vmem>>)
    %dma_start3A_73 = arith.constant 32 : i32
    %dma_start3A_74 = tpu.memref_slice %arg4[%mul3A_2, %dma_start3A_73] : memref<16384x426xf32, #tpu.memory_space<hbm>> -> memref<512x16xf32, #tpu.memory_space<hbm>>
    %dma_start3A_75 = arith.constant 32 : i32
    %dma_start3A_76 = tpu.memref_slice %arg4[%mul3A_2, %dma_start3A_75] : memref<16384x426xf32, #tpu.memory_space<hbm>> -> memref<512x16xf32, #tpu.memory_space<hbm>>
    tpu.enqueue_dma source(%arg8 : memref<512x16xf32, #tpu.memory_space<vmem>>) target(%dma_start3A_76 : memref<512x16xf32, #tpu.memory_space<hbm>>) target_semaphore(%arg15 : memref<!tpu.dma_semaphore, #tpu.memory_space<semaphore_mem>>)
    %dma_wait3A_77 = arith.constant 16 : i32
    %dma_wait3A_78 = tpu.memref_slice %arg4[%mul3A_2, %dma_wait3A_77] : memref<16384x426xf32, #tpu.memory_space<hbm>> -> memref<512x16xf32, #tpu.memory_space<hbm>>
    %dma_wait3A_79 = arith.constant 16 : i32
    %dma_wait3A_80 = tpu.memref_slice %arg4[%mul3A_2, %dma_wait3A_79] : memref<16384x426xf32, #tpu.memory_space<hbm>> -> memref<512x16xf32, #tpu.memory_space<hbm>>
    tpu.wait_dma2 semaphore(%arg15 : memref<!tpu.dma_semaphore, #tpu.memory_space<semaphore_mem>>) src(%arg7 : memref<512x16xf32, #tpu.memory_space<vmem>>) dst(%dma_wait3A_80 : memref<512x16xf32, #tpu.memory_space<hbm>>)
    %dma_start3A_81 = arith.constant 4608 : i32
    %dma_start3A_82 = tpu.memref_slice %arg5[%dma_start3A_81] : memref<13312xi32, #tpu.memory_space<vmem>> -> memref<512xi32, #tpu.memory_space<vmem>>
    %dma_start3A_83 = arith.constant 0 : i32
    %dma_start3A_84 = arith.constant 0 : i32
    %dma_start3A_85 = tpu.memref_slice %arg2[%dma_start3A_83, %dma_start3A_84] : memref<2600000x16xf32, #tpu.memory_space<hbm>> -> memref<2600000x16xf32, #tpu.memory_space<hbm>>
    tpu.enqueue_indirect_dma source(%dma_start3A_85 : memref<2600000x16xf32, #tpu.memory_space<hbm>>) target(%arg7 : memref<512x16xf32, #tpu.memory_space<vmem>>) offsets(%dma_start3A_82 : memref<512xi32, #tpu.memory_space<vmem>>) semaphore(%arg14 : memref<!tpu.dma_semaphore, #tpu.memory_space<semaphore_mem>>)
    %dma_wait3A_86 = arith.constant 1536 : i32
    %dma_wait3A_87 = tpu.memref_slice %arg5[%dma_wait3A_86] : memref<13312xi32, #tpu.memory_space<vmem>> -> memref<512xi32, #tpu.memory_space<vmem>>
    %dma_wait3A_88 = arith.constant 0 : i32
    %dma_wait3A_89 = arith.constant 0 : i32
    %dma_wait3A_90 = tpu.memref_slice %arg2[%dma_wait3A_88, %dma_wait3A_89] : memref<2600000x16xf32, #tpu.memory_space<hbm>> -> memref<2600000x16xf32, #tpu.memory_space<hbm>>
    tpu.wait_indirect_dma semaphore(%arg14 : memref<!tpu.dma_semaphore, #tpu.memory_space<semaphore_mem>>) src(%dma_wait3A_90 : memref<2600000x16xf32, #tpu.memory_space<hbm>>) dst(%arg9 : memref<512x16xf32, #tpu.memory_space<vmem>>)
    %dma_start3A_91 = arith.constant 48 : i32
    %dma_start3A_92 = tpu.memref_slice %arg4[%mul3A_2, %dma_start3A_91] : memref<16384x426xf32, #tpu.memory_space<hbm>> -> memref<512x16xf32, #tpu.memory_space<hbm>>
    %dma_start3A_93 = arith.constant 48 : i32
    %dma_start3A_94 = tpu.memref_slice %arg4[%mul3A_2, %dma_start3A_93] : memref<16384x426xf32, #tpu.memory_space<hbm>> -> memref<512x16xf32, #tpu.memory_space<hbm>>
    tpu.enqueue_dma source(%arg9 : memref<512x16xf32, #tpu.memory_space<vmem>>) target(%dma_start3A_94 : memref<512x16xf32, #tpu.memory_space<hbm>>) target_semaphore(%arg15 : memref<!tpu.dma_semaphore, #tpu.memory_space<semaphore_mem>>)
    %dma_wait3A_95 = arith.constant 32 : i32
    %dma_wait3A_96 = tpu.memref_slice %arg4[%mul3A_2, %dma_wait3A_95] : memref<16384x426xf32, #tpu.memory_space<hbm>> -> memref<512x16xf32, #tpu.memory_space<hbm>>
    %dma_wait3A_97 = arith.constant 32 : i32
    %dma_wait3A_98 = tpu.memref_slice %arg4[%mul3A_2, %dma_wait3A_97] : memref<16384x426xf32, #tpu.memory_space<hbm>> -> memref<512x16xf32, #tpu.memory_space<hbm>>
    tpu.wait_dma2 semaphore(%arg15 : memref<!tpu.dma_semaphore, #tpu.memory_space<semaphore_mem>>) src(%arg8 : memref<512x16xf32, #tpu.memory_space<vmem>>) dst(%dma_wait3A_98 : memref<512x16xf32, #tpu.memory_space<hbm>>)
    %dma_start3A_99 = arith.constant 5120 : i32
    %dma_start3A_100 = tpu.memref_slice %arg5[%dma_start3A_99] : memref<13312xi32, #tpu.memory_space<vmem>> -> memref<512xi32, #tpu.memory_space<vmem>>
    %dma_start3A_101 = arith.constant 0 : i32
    %dma_start3A_102 = arith.constant 0 : i32
    %dma_start3A_103 = tpu.memref_slice %arg2[%dma_start3A_101, %dma_start3A_102] : memref<2600000x16xf32, #tpu.memory_space<hbm>> -> memref<2600000x16xf32, #tpu.memory_space<hbm>>
    tpu.enqueue_indirect_dma source(%dma_start3A_103 : memref<2600000x16xf32, #tpu.memory_space<hbm>>) target(%arg8 : memref<512x16xf32, #tpu.memory_space<vmem>>) offsets(%dma_start3A_100 : memref<512xi32, #tpu.memory_space<vmem>>) semaphore(%arg14 : memref<!tpu.dma_semaphore, #tpu.memory_space<semaphore_mem>>)
    %dma_wait3A_104 = arith.constant 2048 : i32
    %dma_wait3A_105 = tpu.memref_slice %arg5[%dma_wait3A_104] : memref<13312xi32, #tpu.memory_space<vmem>> -> memref<512xi32, #tpu.memory_space<vmem>>
    %dma_wait3A_106 = arith.constant 0 : i32
    %dma_wait3A_107 = arith.constant 0 : i32
    %dma_wait3A_108 = tpu.memref_slice %arg2[%dma_wait3A_106, %dma_wait3A_107] : memref<2600000x16xf32, #tpu.memory_space<hbm>> -> memref<2600000x16xf32, #tpu.memory_space<hbm>>
    tpu.wait_indirect_dma semaphore(%arg14 : memref<!tpu.dma_semaphore, #tpu.memory_space<semaphore_mem>>) src(%dma_wait3A_108 : memref<2600000x16xf32, #tpu.memory_space<hbm>>) dst(%arg10 : memref<512x16xf32, #tpu.memory_space<vmem>>)
    %dma_start3A_109 = arith.constant 64 : i32
    %dma_start3A_110 = tpu.memref_slice %arg4[%mul3A_2, %dma_start3A_109] : memref<16384x426xf32, #tpu.memory_space<hbm>> -> memref<512x16xf32, #tpu.memory_space<hbm>>
    %dma_start3A_111 = arith.constant 64 : i32
    %dma_start3A_112 = tpu.memref_slice %arg4[%mul3A_2, %dma_start3A_111] : memref<16384x426xf32, #tpu.memory_space<hbm>> -> memref<512x16xf32, #tpu.memory_space<hbm>>
    tpu.enqueue_dma source(%arg10 : memref<512x16xf32, #tpu.memory_space<vmem>>) target(%dma_start3A_112 : memref<512x16xf32, #tpu.memory_space<hbm>>) target_semaphore(%arg15 : memref<!tpu.dma_semaphore, #tpu.memory_space<semaphore_mem>>)
    %dma_wait3A_113 = arith.constant 48 : i32
    %dma_wait3A_114 = tpu.memref_slice %arg4[%mul3A_2, %dma_wait3A_113] : memref<16384x426xf32, #tpu.memory_space<hbm>> -> memref<512x16xf32, #tpu.memory_space<hbm>>
    %dma_wait3A_115 = arith.constant 48 : i32
    %dma_wait3A_116 = tpu.memref_slice %arg4[%mul3A_2, %dma_wait3A_115] : memref<16384x426xf32, #tpu.memory_space<hbm>> -> memref<512x16xf32, #tpu.memory_space<hbm>>
    tpu.wait_dma2 semaphore(%arg15 : memref<!tpu.dma_semaphore, #tpu.memory_space<semaphore_mem>>) src(%arg9 : memref<512x16xf32, #tpu.memory_space<vmem>>) dst(%dma_wait3A_116 : memref<512x16xf32, #tpu.memory_space<hbm>>)
    %dma_start3A_117 = arith.constant 5632 : i32
    %dma_start3A_118 = tpu.memref_slice %arg5[%dma_start3A_117] : memref<13312xi32, #tpu.memory_space<vmem>> -> memref<512xi32, #tpu.memory_space<vmem>>
    %dma_start3A_119 = arith.constant 0 : i32
    %dma_start3A_120 = arith.constant 0 : i32
    %dma_start3A_121 = tpu.memref_slice %arg2[%dma_start3A_119, %dma_start3A_120] : memref<2600000x16xf32, #tpu.memory_space<hbm>> -> memref<2600000x16xf32, #tpu.memory_space<hbm>>
    tpu.enqueue_indirect_dma source(%dma_start3A_121 : memref<2600000x16xf32, #tpu.memory_space<hbm>>) target(%arg9 : memref<512x16xf32, #tpu.memory_space<vmem>>) offsets(%dma_start3A_118 : memref<512xi32, #tpu.memory_space<vmem>>) semaphore(%arg14 : memref<!tpu.dma_semaphore, #tpu.memory_space<semaphore_mem>>)
    %dma_wait3A_122 = arith.constant 2560 : i32
    %dma_wait3A_123 = tpu.memref_slice %arg5[%dma_wait3A_122] : memref<13312xi32, #tpu.memory_space<vmem>> -> memref<512xi32, #tpu.memory_space<vmem>>
    %dma_wait3A_124 = arith.constant 0 : i32
    %dma_wait3A_125 = arith.constant 0 : i32
    %dma_wait3A_126 = tpu.memref_slice %arg2[%dma_wait3A_124, %dma_wait3A_125] : memref<2600000x16xf32, #tpu.memory_space<hbm>> -> memref<2600000x16xf32, #tpu.memory_space<hbm>>
    tpu.wait_indirect_dma semaphore(%arg14 : memref<!tpu.dma_semaphore, #tpu.memory_space<semaphore_mem>>) src(%dma_wait3A_126 : memref<2600000x16xf32, #tpu.memory_space<hbm>>) dst(%arg11 : memref<512x16xf32, #tpu.memory_space<vmem>>)
    %dma_start3A_127 = arith.constant 80 : i32
    %dma_start3A_128 = tpu.memref_slice %arg4[%mul3A_2, %dma_start3A_127] : memref<16384x426xf32, #tpu.memory_space<hbm>> -> memref<512x16xf32, #tpu.memory_space<hbm>>
    %dma_start3A_129 = arith.constant 80 : i32
    %dma_start3A_130 = tpu.memref_slice %arg4[%mul3A_2, %dma_start3A_129] : memref<16384x426xf32, #tpu.memory_space<hbm>> -> memref<512x16xf32, #tpu.memory_space<hbm>>
    tpu.enqueue_dma source(%arg11 : memref<512x16xf32, #tpu.memory_space<vmem>>) target(%dma_start3A_130 : memref<512x16xf32, #tpu.memory_space<hbm>>) target_semaphore(%arg15 : memref<!tpu.dma_semaphore, #tpu.memory_space<semaphore_mem>>)
    %dma_wait3A_131 = arith.constant 64 : i32
    %dma_wait3A_132 = tpu.memref_slice %arg4[%mul3A_2, %dma_wait3A_131] : memref<16384x426xf32, #tpu.memory_space<hbm>> -> memref<512x16xf32, #tpu.memory_space<hbm>>
    %dma_wait3A_133 = arith.constant 64 : i32
    %dma_wait3A_134 = tpu.memref_slice %arg4[%mul3A_2, %dma_wait3A_133] : memref<16384x426xf32, #tpu.memory_space<hbm>> -> memref<512x16xf32, #tpu.memory_space<hbm>>
    tpu.wait_dma2 semaphore(%arg15 : memref<!tpu.dma_semaphore, #tpu.memory_space<semaphore_mem>>) src(%arg10 : memref<512x16xf32, #tpu.memory_space<vmem>>) dst(%dma_wait3A_134 : memref<512x16xf32, #tpu.memory_space<hbm>>)
    %dma_start3A_135 = arith.constant 6144 : i32
    %dma_start3A_136 = tpu.memref_slice %arg5[%dma_start3A_135] : memref<13312xi32, #tpu.memory_space<vmem>> -> memref<512xi32, #tpu.memory_space<vmem>>
    %dma_start3A_137 = arith.constant 0 : i32
    %dma_start3A_138 = arith.constant 0 : i32
    %dma_start3A_139 = tpu.memref_slice %arg2[%dma_start3A_137, %dma_start3A_138] : memref<2600000x16xf32, #tpu.memory_space<hbm>> -> memref<2600000x16xf32, #tpu.memory_space<hbm>>
    tpu.enqueue_indirect_dma source(%dma_start3A_139 : memref<2600000x16xf32, #tpu.memory_space<hbm>>) target(%arg10 : memref<512x16xf32, #tpu.memory_space<vmem>>) offsets(%dma_start3A_136 : memref<512xi32, #tpu.memory_space<vmem>>) semaphore(%arg14 : memref<!tpu.dma_semaphore, #tpu.memory_space<semaphore_mem>>)
    %dma_wait3A_140 = arith.constant 3072 : i32
    %dma_wait3A_141 = tpu.memref_slice %arg5[%dma_wait3A_140] : memref<13312xi32, #tpu.memory_space<vmem>> -> memref<512xi32, #tpu.memory_space<vmem>>
    %dma_wait3A_142 = arith.constant 0 : i32
    %dma_wait3A_143 = arith.constant 0 : i32
    %dma_wait3A_144 = tpu.memref_slice %arg2[%dma_wait3A_142, %dma_wait3A_143] : memref<2600000x16xf32, #tpu.memory_space<hbm>> -> memref<2600000x16xf32, #tpu.memory_space<hbm>>
    tpu.wait_indirect_dma semaphore(%arg14 : memref<!tpu.dma_semaphore, #tpu.memory_space<semaphore_mem>>) src(%dma_wait3A_144 : memref<2600000x16xf32, #tpu.memory_space<hbm>>) dst(%arg12 : memref<512x16xf32, #tpu.memory_space<vmem>>)
    %dma_start3A_145 = arith.constant 96 : i32
    %dma_start3A_146 = tpu.memref_slice %arg4[%mul3A_2, %dma_start3A_145] : memref<16384x426xf32, #tpu.memory_space<hbm>> -> memref<512x16xf32, #tpu.memory_space<hbm>>
    %dma_start3A_147 = arith.constant 96 : i32
    %dma_start3A_148 = tpu.memref_slice %arg4[%mul3A_2, %dma_start3A_147] : memref<16384x426xf32, #tpu.memory_space<hbm>> -> memref<512x16xf32, #tpu.memory_space<hbm>>
    tpu.enqueue_dma source(%arg12 : memref<512x16xf32, #tpu.memory_space<vmem>>) target(%dma_start3A_148 : memref<512x16xf32, #tpu.memory_space<hbm>>) target_semaphore(%arg15 : memref<!tpu.dma_semaphore, #tpu.memory_space<semaphore_mem>>)
    %dma_wait3A_149 = arith.constant 80 : i32
    %dma_wait3A_150 = tpu.memref_slice %arg4[%mul3A_2, %dma_wait3A_149] : memref<16384x426xf32, #tpu.memory_space<hbm>> -> memref<512x16xf32, #tpu.memory_space<hbm>>
    %dma_wait3A_151 = arith.constant 80 : i32
    %dma_wait3A_152 = tpu.memref_slice %arg4[%mul3A_2, %dma_wait3A_151] : memref<16384x426xf32, #tpu.memory_space<hbm>> -> memref<512x16xf32, #tpu.memory_space<hbm>>
    tpu.wait_dma2 semaphore(%arg15 : memref<!tpu.dma_semaphore, #tpu.memory_space<semaphore_mem>>) src(%arg11 : memref<512x16xf32, #tpu.memory_space<vmem>>) dst(%dma_wait3A_152 : memref<512x16xf32, #tpu.memory_space<hbm>>)
    %dma_start3A_153 = arith.constant 6656 : i32
    %dma_start3A_154 = tpu.memref_slice %arg5[%dma_start3A_153] : memref<13312xi32, #tpu.memory_space<vmem>> -> memref<512xi32, #tpu.memory_space<vmem>>
    %dma_start3A_155 = arith.constant 0 : i32
    %dma_start3A_156 = arith.constant 0 : i32
    %dma_start3A_157 = tpu.memref_slice %arg2[%dma_start3A_155, %dma_start3A_156] : memref<2600000x16xf32, #tpu.memory_space<hbm>> -> memref<2600000x16xf32, #tpu.memory_space<hbm>>
    tpu.enqueue_indirect_dma source(%dma_start3A_157 : memref<2600000x16xf32, #tpu.memory_space<hbm>>) target(%arg11 : memref<512x16xf32, #tpu.memory_space<vmem>>) offsets(%dma_start3A_154 : memref<512xi32, #tpu.memory_space<vmem>>) semaphore(%arg14 : memref<!tpu.dma_semaphore, #tpu.memory_space<semaphore_mem>>)
    %dma_wait3A_158 = arith.constant 3584 : i32
    %dma_wait3A_159 = tpu.memref_slice %arg5[%dma_wait3A_158] : memref<13312xi32, #tpu.memory_space<vmem>> -> memref<512xi32, #tpu.memory_space<vmem>>
    %dma_wait3A_160 = arith.constant 0 : i32
    %dma_wait3A_161 = arith.constant 0 : i32
    %dma_wait3A_162 = tpu.memref_slice %arg2[%dma_wait3A_160, %dma_wait3A_161] : memref<2600000x16xf32, #tpu.memory_space<hbm>> -> memref<2600000x16xf32, #tpu.memory_space<hbm>>
    tpu.wait_indirect_dma semaphore(%arg14 : memref<!tpu.dma_semaphore, #tpu.memory_space<semaphore_mem>>) src(%dma_wait3A_162 : memref<2600000x16xf32, #tpu.memory_space<hbm>>) dst(%arg13 : memref<512x16xf32, #tpu.memory_space<vmem>>)
    %dma_start3A_163 = arith.constant 112 : i32
    %dma_start3A_164 = tpu.memref_slice %arg4[%mul3A_2, %dma_start3A_163] : memref<16384x426xf32, #tpu.memory_space<hbm>> -> memref<512x16xf32, #tpu.memory_space<hbm>>
    %dma_start3A_165 = arith.constant 112 : i32
    %dma_start3A_166 = tpu.memref_slice %arg4[%mul3A_2, %dma_start3A_165] : memref<16384x426xf32, #tpu.memory_space<hbm>> -> memref<512x16xf32, #tpu.memory_space<hbm>>
    tpu.enqueue_dma source(%arg13 : memref<512x16xf32, #tpu.memory_space<vmem>>) target(%dma_start3A_166 : memref<512x16xf32, #tpu.memory_space<hbm>>) target_semaphore(%arg15 : memref<!tpu.dma_semaphore, #tpu.memory_space<semaphore_mem>>)
    %dma_wait3A_167 = arith.constant 96 : i32
    %dma_wait3A_168 = tpu.memref_slice %arg4[%mul3A_2, %dma_wait3A_167] : memref<16384x426xf32, #tpu.memory_space<hbm>> -> memref<512x16xf32, #tpu.memory_space<hbm>>
    %dma_wait3A_169 = arith.constant 96 : i32
    %dma_wait3A_170 = tpu.memref_slice %arg4[%mul3A_2, %dma_wait3A_169] : memref<16384x426xf32, #tpu.memory_space<hbm>> -> memref<512x16xf32, #tpu.memory_space<hbm>>
    tpu.wait_dma2 semaphore(%arg15 : memref<!tpu.dma_semaphore, #tpu.memory_space<semaphore_mem>>) src(%arg12 : memref<512x16xf32, #tpu.memory_space<vmem>>) dst(%dma_wait3A_170 : memref<512x16xf32, #tpu.memory_space<hbm>>)
    %dma_start3A_171 = arith.constant 7168 : i32
    %dma_start3A_172 = tpu.memref_slice %arg5[%dma_start3A_171] : memref<13312xi32, #tpu.memory_space<vmem>> -> memref<512xi32, #tpu.memory_space<vmem>>
    %dma_start3A_173 = arith.constant 0 : i32
    %dma_start3A_174 = arith.constant 0 : i32
    %dma_start3A_175 = tpu.memref_slice %arg2[%dma_start3A_173, %dma_start3A_174] : memref<2600000x16xf32, #tpu.memory_space<hbm>> -> memref<2600000x16xf32, #tpu.memory_space<hbm>>
    tpu.enqueue_indirect_dma source(%dma_start3A_175 : memref<2600000x16xf32, #tpu.memory_space<hbm>>) target(%arg12 : memref<512x16xf32, #tpu.memory_space<vmem>>) offsets(%dma_start3A_172 : memref<512xi32, #tpu.memory_space<vmem>>) semaphore(%arg14 : memref<!tpu.dma_semaphore, #tpu.memory_space<semaphore_mem>>)
    %dma_wait3A_176 = arith.constant 4096 : i32
    %dma_wait3A_177 = tpu.memref_slice %arg5[%dma_wait3A_176] : memref<13312xi32, #tpu.memory_space<vmem>> -> memref<512xi32, #tpu.memory_space<vmem>>
    %dma_wait3A_178 = arith.constant 0 : i32
    %dma_wait3A_179 = arith.constant 0 : i32
    %dma_wait3A_180 = tpu.memref_slice %arg2[%dma_wait3A_178, %dma_wait3A_179] : memref<2600000x16xf32, #tpu.memory_space<hbm>> -> memref<2600000x16xf32, #tpu.memory_space<hbm>>
    tpu.wait_indirect_dma semaphore(%arg14 : memref<!tpu.dma_semaphore, #tpu.memory_space<semaphore_mem>>) src(%dma_wait3A_180 : memref<2600000x16xf32, #tpu.memory_space<hbm>>) dst(%arg6 : memref<512x16xf32, #tpu.memory_space<vmem>>)
    %dma_start3A_181 = arith.constant 128 : i32
    %dma_start3A_182 = tpu.memref_slice %arg4[%mul3A_2, %dma_start3A_181] : memref<16384x426xf32, #tpu.memory_space<hbm>> -> memref<512x16xf32, #tpu.memory_space<hbm>>
    %dma_start3A_183 = arith.constant 128 : i32
    %dma_start3A_184 = tpu.memref_slice %arg4[%mul3A_2, %dma_start3A_183] : memref<16384x426xf32, #tpu.memory_space<hbm>> -> memref<512x16xf32, #tpu.memory_space<hbm>>
    tpu.enqueue_dma source(%arg6 : memref<512x16xf32, #tpu.memory_space<vmem>>) target(%dma_start3A_184 : memref<512x16xf32, #tpu.memory_space<hbm>>) target_semaphore(%arg15 : memref<!tpu.dma_semaphore, #tpu.memory_space<semaphore_mem>>)
    %dma_wait3A_185 = arith.constant 112 : i32
    %dma_wait3A_186 = tpu.memref_slice %arg4[%mul3A_2, %dma_wait3A_185] : memref<16384x426xf32, #tpu.memory_space<hbm>> -> memref<512x16xf32, #tpu.memory_space<hbm>>
    %dma_wait3A_187 = arith.constant 112 : i32
    %dma_wait3A_188 = tpu.memref_slice %arg4[%mul3A_2, %dma_wait3A_187] : memref<16384x426xf32, #tpu.memory_space<hbm>> -> memref<512x16xf32, #tpu.memory_space<hbm>>
    tpu.wait_dma2 semaphore(%arg15 : memref<!tpu.dma_semaphore, #tpu.memory_space<semaphore_mem>>) src(%arg13 : memref<512x16xf32, #tpu.memory_space<vmem>>) dst(%dma_wait3A_188 : memref<512x16xf32, #tpu.memory_space<hbm>>)
    %dma_start3A_189 = arith.constant 7680 : i32
    %dma_start3A_190 = tpu.memref_slice %arg5[%dma_start3A_189] : memref<13312xi32, #tpu.memory_space<vmem>> -> memref<512xi32, #tpu.memory_space<vmem>>
    %dma_start3A_191 = arith.constant 0 : i32
    %dma_start3A_192 = arith.constant 0 : i32
    %dma_start3A_193 = tpu.memref_slice %arg2[%dma_start3A_191, %dma_start3A_192] : memref<2600000x16xf32, #tpu.memory_space<hbm>> -> memref<2600000x16xf32, #tpu.memory_space<hbm>>
    tpu.enqueue_indirect_dma source(%dma_start3A_193 : memref<2600000x16xf32, #tpu.memory_space<hbm>>) target(%arg13 : memref<512x16xf32, #tpu.memory_space<vmem>>) offsets(%dma_start3A_190 : memref<512xi32, #tpu.memory_space<vmem>>) semaphore(%arg14 : memref<!tpu.dma_semaphore, #tpu.memory_space<semaphore_mem>>)
    %dma_wait3A_194 = arith.constant 4608 : i32
    %dma_wait3A_195 = tpu.memref_slice %arg5[%dma_wait3A_194] : memref<13312xi32, #tpu.memory_space<vmem>> -> memref<512xi32, #tpu.memory_space<vmem>>
    %dma_wait3A_196 = arith.constant 0 : i32
    %dma_wait3A_197 = arith.constant 0 : i32
    %dma_wait3A_198 = tpu.memref_slice %arg2[%dma_wait3A_196, %dma_wait3A_197] : memref<2600000x16xf32, #tpu.memory_space<hbm>> -> memref<2600000x16xf32, #tpu.memory_space<hbm>>
    tpu.wait_indirect_dma semaphore(%arg14 : memref<!tpu.dma_semaphore, #tpu.memory_space<semaphore_mem>>) src(%dma_wait3A_198 : memref<2600000x16xf32, #tpu.memory_space<hbm>>) dst(%arg7 : memref<512x16xf32, #tpu.memory_space<vmem>>)
    %dma_start3A_199 = arith.constant 144 : i32
    %dma_start3A_200 = tpu.memref_slice %arg4[%mul3A_2, %dma_start3A_199] : memref<16384x426xf32, #tpu.memory_space<hbm>> -> memref<512x16xf32, #tpu.memory_space<hbm>>
    %dma_start3A_201 = arith.constant 144 : i32
    %dma_start3A_202 = tpu.memref_slice %arg4[%mul3A_2, %dma_start3A_201] : memref<16384x426xf32, #tpu.memory_space<hbm>> -> memref<512x16xf32, #tpu.memory_space<hbm>>
    tpu.enqueue_dma source(%arg7 : memref<512x16xf32, #tpu.memory_space<vmem>>) target(%dma_start3A_202 : memref<512x16xf32, #tpu.memory_space<hbm>>) target_semaphore(%arg15 : memref<!tpu.dma_semaphore, #tpu.memory_space<semaphore_mem>>)
    %dma_wait3A_203 = arith.constant 128 : i32
    %dma_wait3A_204 = tpu.memref_slice %arg4[%mul3A_2, %dma_wait3A_203] : memref<16384x426xf32, #tpu.memory_space<hbm>> -> memref<512x16xf32, #tpu.memory_space<hbm>>
    %dma_wait3A_205 = arith.constant 128 : i32
    %dma_wait3A_206 = tpu.memref_slice %arg4[%mul3A_2, %dma_wait3A_205] : memref<16384x426xf32, #tpu.memory_space<hbm>> -> memref<512x16xf32, #tpu.memory_space<hbm>>
    tpu.wait_dma2 semaphore(%arg15 : memref<!tpu.dma_semaphore, #tpu.memory_space<semaphore_mem>>) src(%arg6 : memref<512x16xf32, #tpu.memory_space<vmem>>) dst(%dma_wait3A_206 : memref<512x16xf32, #tpu.memory_space<hbm>>)
    %dma_start3A_207 = arith.constant 8192 : i32
    %dma_start3A_208 = tpu.memref_slice %arg5[%dma_start3A_207] : memref<13312xi32, #tpu.memory_space<vmem>> -> memref<512xi32, #tpu.memory_space<vmem>>
    %dma_start3A_209 = arith.constant 0 : i32
    %dma_start3A_210 = arith.constant 0 : i32
    %dma_start3A_211 = tpu.memref_slice %arg2[%dma_start3A_209, %dma_start3A_210] : memref<2600000x16xf32, #tpu.memory_space<hbm>> -> memref<2600000x16xf32, #tpu.memory_space<hbm>>
    tpu.enqueue_indirect_dma source(%dma_start3A_211 : memref<2600000x16xf32, #tpu.memory_space<hbm>>) target(%arg6 : memref<512x16xf32, #tpu.memory_space<vmem>>) offsets(%dma_start3A_208 : memref<512xi32, #tpu.memory_space<vmem>>) semaphore(%arg14 : memref<!tpu.dma_semaphore, #tpu.memory_space<semaphore_mem>>)
    %dma_wait3A_212 = arith.constant 5120 : i32
    %dma_wait3A_213 = tpu.memref_slice %arg5[%dma_wait3A_212] : memref<13312xi32, #tpu.memory_space<vmem>> -> memref<512xi32, #tpu.memory_space<vmem>>
    %dma_wait3A_214 = arith.constant 0 : i32
    %dma_wait3A_215 = arith.constant 0 : i32
    %dma_wait3A_216 = tpu.memref_slice %arg2[%dma_wait3A_214, %dma_wait3A_215] : memref<2600000x16xf32, #tpu.memory_space<hbm>> -> memref<2600000x16xf32, #tpu.memory_space<hbm>>
    tpu.wait_indirect_dma semaphore(%arg14 : memref<!tpu.dma_semaphore, #tpu.memory_space<semaphore_mem>>) src(%dma_wait3A_216 : memref<2600000x16xf32, #tpu.memory_space<hbm>>) dst(%arg8 : memref<512x16xf32, #tpu.memory_space<vmem>>)
    %dma_start3A_217 = arith.constant 160 : i32
    %dma_start3A_218 = tpu.memref_slice %arg4[%mul3A_2, %dma_start3A_217] : memref<16384x426xf32, #tpu.memory_space<hbm>> -> memref<512x16xf32, #tpu.memory_space<hbm>>
    %dma_start3A_219 = arith.constant 160 : i32
    %dma_start3A_220 = tpu.memref_slice %arg4[%mul3A_2, %dma_start3A_219] : memref<16384x426xf32, #tpu.memory_space<hbm>> -> memref<512x16xf32, #tpu.memory_space<hbm>>
    tpu.enqueue_dma source(%arg8 : memref<512x16xf32, #tpu.memory_space<vmem>>) target(%dma_start3A_220 : memref<512x16xf32, #tpu.memory_space<hbm>>) target_semaphore(%arg15 : memref<!tpu.dma_semaphore, #tpu.memory_space<semaphore_mem>>)
    %dma_wait3A_221 = arith.constant 144 : i32
    %dma_wait3A_222 = tpu.memref_slice %arg4[%mul3A_2, %dma_wait3A_221] : memref<16384x426xf32, #tpu.memory_space<hbm>> -> memref<512x16xf32, #tpu.memory_space<hbm>>
    %dma_wait3A_223 = arith.constant 144 : i32
    %dma_wait3A_224 = tpu.memref_slice %arg4[%mul3A_2, %dma_wait3A_223] : memref<16384x426xf32, #tpu.memory_space<hbm>> -> memref<512x16xf32, #tpu.memory_space<hbm>>
    tpu.wait_dma2 semaphore(%arg15 : memref<!tpu.dma_semaphore, #tpu.memory_space<semaphore_mem>>) src(%arg7 : memref<512x16xf32, #tpu.memory_space<vmem>>) dst(%dma_wait3A_224 : memref<512x16xf32, #tpu.memory_space<hbm>>)
    %dma_start3A_225 = arith.constant 8704 : i32
    %dma_start3A_226 = tpu.memref_slice %arg5[%dma_start3A_225] : memref<13312xi32, #tpu.memory_space<vmem>> -> memref<512xi32, #tpu.memory_space<vmem>>
    %dma_start3A_227 = arith.constant 0 : i32
    %dma_start3A_228 = arith.constant 0 : i32
    %dma_start3A_229 = tpu.memref_slice %arg2[%dma_start3A_227, %dma_start3A_228] : memref<2600000x16xf32, #tpu.memory_space<hbm>> -> memref<2600000x16xf32, #tpu.memory_space<hbm>>
    tpu.enqueue_indirect_dma source(%dma_start3A_229 : memref<2600000x16xf32, #tpu.memory_space<hbm>>) target(%arg7 : memref<512x16xf32, #tpu.memory_space<vmem>>) offsets(%dma_start3A_226 : memref<512xi32, #tpu.memory_space<vmem>>) semaphore(%arg14 : memref<!tpu.dma_semaphore, #tpu.memory_space<semaphore_mem>>)
    %dma_wait3A_230 = arith.constant 5632 : i32
    %dma_wait3A_231 = tpu.memref_slice %arg5[%dma_wait3A_230] : memref<13312xi32, #tpu.memory_space<vmem>> -> memref<512xi32, #tpu.memory_space<vmem>>
    %dma_wait3A_232 = arith.constant 0 : i32
    %dma_wait3A_233 = arith.constant 0 : i32
    %dma_wait3A_234 = tpu.memref_slice %arg2[%dma_wait3A_232, %dma_wait3A_233] : memref<2600000x16xf32, #tpu.memory_space<hbm>> -> memref<2600000x16xf32, #tpu.memory_space<hbm>>
    tpu.wait_indirect_dma semaphore(%arg14 : memref<!tpu.dma_semaphore, #tpu.memory_space<semaphore_mem>>) src(%dma_wait3A_234 : memref<2600000x16xf32, #tpu.memory_space<hbm>>) dst(%arg9 : memref<512x16xf32, #tpu.memory_space<vmem>>)
    %dma_start3A_235 = arith.constant 176 : i32
    %dma_start3A_236 = tpu.memref_slice %arg4[%mul3A_2, %dma_start3A_235] : memref<16384x426xf32, #tpu.memory_space<hbm>> -> memref<512x16xf32, #tpu.memory_space<hbm>>
    %dma_start3A_237 = arith.constant 176 : i32
    %dma_start3A_238 = tpu.memref_slice %arg4[%mul3A_2, %dma_start3A_237] : memref<16384x426xf32, #tpu.memory_space<hbm>> -> memref<512x16xf32, #tpu.memory_space<hbm>>
    tpu.enqueue_dma source(%arg9 : memref<512x16xf32, #tpu.memory_space<vmem>>) target(%dma_start3A_238 : memref<512x16xf32, #tpu.memory_space<hbm>>) target_semaphore(%arg15 : memref<!tpu.dma_semaphore, #tpu.memory_space<semaphore_mem>>)
    %dma_wait3A_239 = arith.constant 160 : i32
    %dma_wait3A_240 = tpu.memref_slice %arg4[%mul3A_2, %dma_wait3A_239] : memref<16384x426xf32, #tpu.memory_space<hbm>> -> memref<512x16xf32, #tpu.memory_space<hbm>>
    %dma_wait3A_241 = arith.constant 160 : i32
    %dma_wait3A_242 = tpu.memref_slice %arg4[%mul3A_2, %dma_wait3A_241] : memref<16384x426xf32, #tpu.memory_space<hbm>> -> memref<512x16xf32, #tpu.memory_space<hbm>>
    tpu.wait_dma2 semaphore(%arg15 : memref<!tpu.dma_semaphore, #tpu.memory_space<semaphore_mem>>) src(%arg8 : memref<512x16xf32, #tpu.memory_space<vmem>>) dst(%dma_wait3A_242 : memref<512x16xf32, #tpu.memory_space<hbm>>)
    %dma_start3A_243 = arith.constant 9216 : i32
    %dma_start3A_244 = tpu.memref_slice %arg5[%dma_start3A_243] : memref<13312xi32, #tpu.memory_space<vmem>> -> memref<512xi32, #tpu.memory_space<vmem>>
    %dma_start3A_245 = arith.constant 0 : i32
    %dma_start3A_246 = arith.constant 0 : i32
    %dma_start3A_247 = tpu.memref_slice %arg2[%dma_start3A_245, %dma_start3A_246] : memref<2600000x16xf32, #tpu.memory_space<hbm>> -> memref<2600000x16xf32, #tpu.memory_space<hbm>>
    tpu.enqueue_indirect_dma source(%dma_start3A_247 : memref<2600000x16xf32, #tpu.memory_space<hbm>>) target(%arg8 : memref<512x16xf32, #tpu.memory_space<vmem>>) offsets(%dma_start3A_244 : memref<512xi32, #tpu.memory_space<vmem>>) semaphore(%arg14 : memref<!tpu.dma_semaphore, #tpu.memory_space<semaphore_mem>>)
    %dma_wait3A_248 = arith.constant 6144 : i32
    %dma_wait3A_249 = tpu.memref_slice %arg5[%dma_wait3A_248] : memref<13312xi32, #tpu.memory_space<vmem>> -> memref<512xi32, #tpu.memory_space<vmem>>
    %dma_wait3A_250 = arith.constant 0 : i32
    %dma_wait3A_251 = arith.constant 0 : i32
    %dma_wait3A_252 = tpu.memref_slice %arg2[%dma_wait3A_250, %dma_wait3A_251] : memref<2600000x16xf32, #tpu.memory_space<hbm>> -> memref<2600000x16xf32, #tpu.memory_space<hbm>>
    tpu.wait_indirect_dma semaphore(%arg14 : memref<!tpu.dma_semaphore, #tpu.memory_space<semaphore_mem>>) src(%dma_wait3A_252 : memref<2600000x16xf32, #tpu.memory_space<hbm>>) dst(%arg10 : memref<512x16xf32, #tpu.memory_space<vmem>>)
    %dma_start3A_253 = arith.constant 192 : i32
    %dma_start3A_254 = tpu.memref_slice %arg4[%mul3A_2, %dma_start3A_253] : memref<16384x426xf32, #tpu.memory_space<hbm>> -> memref<512x16xf32, #tpu.memory_space<hbm>>
    %dma_start3A_255 = arith.constant 192 : i32
    %dma_start3A_256 = tpu.memref_slice %arg4[%mul3A_2, %dma_start3A_255] : memref<16384x426xf32, #tpu.memory_space<hbm>> -> memref<512x16xf32, #tpu.memory_space<hbm>>
    tpu.enqueue_dma source(%arg10 : memref<512x16xf32, #tpu.memory_space<vmem>>) target(%dma_start3A_256 : memref<512x16xf32, #tpu.memory_space<hbm>>) target_semaphore(%arg15 : memref<!tpu.dma_semaphore, #tpu.memory_space<semaphore_mem>>)
    %dma_wait3A_257 = arith.constant 176 : i32
    %dma_wait3A_258 = tpu.memref_slice %arg4[%mul3A_2, %dma_wait3A_257] : memref<16384x426xf32, #tpu.memory_space<hbm>> -> memref<512x16xf32, #tpu.memory_space<hbm>>
    %dma_wait3A_259 = arith.constant 176 : i32
    %dma_wait3A_260 = tpu.memref_slice %arg4[%mul3A_2, %dma_wait3A_259] : memref<16384x426xf32, #tpu.memory_space<hbm>> -> memref<512x16xf32, #tpu.memory_space<hbm>>
    tpu.wait_dma2 semaphore(%arg15 : memref<!tpu.dma_semaphore, #tpu.memory_space<semaphore_mem>>) src(%arg9 : memref<512x16xf32, #tpu.memory_space<vmem>>) dst(%dma_wait3A_260 : memref<512x16xf32, #tpu.memory_space<hbm>>)
    %dma_start3A_261 = arith.constant 9728 : i32
    %dma_start3A_262 = tpu.memref_slice %arg5[%dma_start3A_261] : memref<13312xi32, #tpu.memory_space<vmem>> -> memref<512xi32, #tpu.memory_space<vmem>>
    %dma_start3A_263 = arith.constant 0 : i32
    %dma_start3A_264 = arith.constant 0 : i32
    %dma_start3A_265 = tpu.memref_slice %arg2[%dma_start3A_263, %dma_start3A_264] : memref<2600000x16xf32, #tpu.memory_space<hbm>> -> memref<2600000x16xf32, #tpu.memory_space<hbm>>
    tpu.enqueue_indirect_dma source(%dma_start3A_265 : memref<2600000x16xf32, #tpu.memory_space<hbm>>) target(%arg9 : memref<512x16xf32, #tpu.memory_space<vmem>>) offsets(%dma_start3A_262 : memref<512xi32, #tpu.memory_space<vmem>>) semaphore(%arg14 : memref<!tpu.dma_semaphore, #tpu.memory_space<semaphore_mem>>)
    %dma_wait3A_266 = arith.constant 6656 : i32
    %dma_wait3A_267 = tpu.memref_slice %arg5[%dma_wait3A_266] : memref<13312xi32, #tpu.memory_space<vmem>> -> memref<512xi32, #tpu.memory_space<vmem>>
    %dma_wait3A_268 = arith.constant 0 : i32
    %dma_wait3A_269 = arith.constant 0 : i32
    %dma_wait3A_270 = tpu.memref_slice %arg2[%dma_wait3A_268, %dma_wait3A_269] : memref<2600000x16xf32, #tpu.memory_space<hbm>> -> memref<2600000x16xf32, #tpu.memory_space<hbm>>
    tpu.wait_indirect_dma semaphore(%arg14 : memref<!tpu.dma_semaphore, #tpu.memory_space<semaphore_mem>>) src(%dma_wait3A_270 : memref<2600000x16xf32, #tpu.memory_space<hbm>>) dst(%arg11 : memref<512x16xf32, #tpu.memory_space<vmem>>)
    %dma_start3A_271 = arith.constant 208 : i32
    %dma_start3A_272 = tpu.memref_slice %arg4[%mul3A_2, %dma_start3A_271] : memref<16384x426xf32, #tpu.memory_space<hbm>> -> memref<512x16xf32, #tpu.memory_space<hbm>>
    %dma_start3A_273 = arith.constant 208 : i32
    %dma_start3A_274 = tpu.memref_slice %arg4[%mul3A_2, %dma_start3A_273] : memref<16384x426xf32, #tpu.memory_space<hbm>> -> memref<512x16xf32, #tpu.memory_space<hbm>>
    tpu.enqueue_dma source(%arg11 : memref<512x16xf32, #tpu.memory_space<vmem>>) target(%dma_start3A_274 : memref<512x16xf32, #tpu.memory_space<hbm>>) target_semaphore(%arg15 : memref<!tpu.dma_semaphore, #tpu.memory_space<semaphore_mem>>)
    %dma_wait3A_275 = arith.constant 192 : i32
    %dma_wait3A_276 = tpu.memref_slice %arg4[%mul3A_2, %dma_wait3A_275] : memref<16384x426xf32, #tpu.memory_space<hbm>> -> memref<512x16xf32, #tpu.memory_space<hbm>>
    %dma_wait3A_277 = arith.constant 192 : i32
    %dma_wait3A_278 = tpu.memref_slice %arg4[%mul3A_2, %dma_wait3A_277] : memref<16384x426xf32, #tpu.memory_space<hbm>> -> memref<512x16xf32, #tpu.memory_space<hbm>>
    tpu.wait_dma2 semaphore(%arg15 : memref<!tpu.dma_semaphore, #tpu.memory_space<semaphore_mem>>) src(%arg10 : memref<512x16xf32, #tpu.memory_space<vmem>>) dst(%dma_wait3A_278 : memref<512x16xf32, #tpu.memory_space<hbm>>)
    %dma_start3A_279 = arith.constant 10240 : i32
    %dma_start3A_280 = tpu.memref_slice %arg5[%dma_start3A_279] : memref<13312xi32, #tpu.memory_space<vmem>> -> memref<512xi32, #tpu.memory_space<vmem>>
    %dma_start3A_281 = arith.constant 0 : i32
    %dma_start3A_282 = arith.constant 0 : i32
    %dma_start3A_283 = tpu.memref_slice %arg2[%dma_start3A_281, %dma_start3A_282] : memref<2600000x16xf32, #tpu.memory_space<hbm>> -> memref<2600000x16xf32, #tpu.memory_space<hbm>>
    tpu.enqueue_indirect_dma source(%dma_start3A_283 : memref<2600000x16xf32, #tpu.memory_space<hbm>>) target(%arg10 : memref<512x16xf32, #tpu.memory_space<vmem>>) offsets(%dma_start3A_280 : memref<512xi32, #tpu.memory_space<vmem>>) semaphore(%arg14 : memref<!tpu.dma_semaphore, #tpu.memory_space<semaphore_mem>>)
    %dma_wait3A_284 = arith.constant 7168 : i32
    %dma_wait3A_285 = tpu.memref_slice %arg5[%dma_wait3A_284] : memref<13312xi32, #tpu.memory_space<vmem>> -> memref<512xi32, #tpu.memory_space<vmem>>
    %dma_wait3A_286 = arith.constant 0 : i32
    %dma_wait3A_287 = arith.constant 0 : i32
    %dma_wait3A_288 = tpu.memref_slice %arg2[%dma_wait3A_286, %dma_wait3A_287] : memref<2600000x16xf32, #tpu.memory_space<hbm>> -> memref<2600000x16xf32, #tpu.memory_space<hbm>>
    tpu.wait_indirect_dma semaphore(%arg14 : memref<!tpu.dma_semaphore, #tpu.memory_space<semaphore_mem>>) src(%dma_wait3A_288 : memref<2600000x16xf32, #tpu.memory_space<hbm>>) dst(%arg12 : memref<512x16xf32, #tpu.memory_space<vmem>>)
    %dma_start3A_289 = arith.constant 224 : i32
    %dma_start3A_290 = tpu.memref_slice %arg4[%mul3A_2, %dma_start3A_289] : memref<16384x426xf32, #tpu.memory_space<hbm>> -> memref<512x16xf32, #tpu.memory_space<hbm>>
    %dma_start3A_291 = arith.constant 224 : i32
    %dma_start3A_292 = tpu.memref_slice %arg4[%mul3A_2, %dma_start3A_291] : memref<16384x426xf32, #tpu.memory_space<hbm>> -> memref<512x16xf32, #tpu.memory_space<hbm>>
    tpu.enqueue_dma source(%arg12 : memref<512x16xf32, #tpu.memory_space<vmem>>) target(%dma_start3A_292 : memref<512x16xf32, #tpu.memory_space<hbm>>) target_semaphore(%arg15 : memref<!tpu.dma_semaphore, #tpu.memory_space<semaphore_mem>>)
    %dma_wait3A_293 = arith.constant 208 : i32
    %dma_wait3A_294 = tpu.memref_slice %arg4[%mul3A_2, %dma_wait3A_293] : memref<16384x426xf32, #tpu.memory_space<hbm>> -> memref<512x16xf32, #tpu.memory_space<hbm>>
    %dma_wait3A_295 = arith.constant 208 : i32
    %dma_wait3A_296 = tpu.memref_slice %arg4[%mul3A_2, %dma_wait3A_295] : memref<16384x426xf32, #tpu.memory_space<hbm>> -> memref<512x16xf32, #tpu.memory_space<hbm>>
    tpu.wait_dma2 semaphore(%arg15 : memref<!tpu.dma_semaphore, #tpu.memory_space<semaphore_mem>>) src(%arg11 : memref<512x16xf32, #tpu.memory_space<vmem>>) dst(%dma_wait3A_296 : memref<512x16xf32, #tpu.memory_space<hbm>>)
    %dma_start3A_297 = arith.constant 10752 : i32
    %dma_start3A_298 = tpu.memref_slice %arg5[%dma_start3A_297] : memref<13312xi32, #tpu.memory_space<vmem>> -> memref<512xi32, #tpu.memory_space<vmem>>
    %dma_start3A_299 = arith.constant 0 : i32
    %dma_start3A_300 = arith.constant 0 : i32
    %dma_start3A_301 = tpu.memref_slice %arg2[%dma_start3A_299, %dma_start3A_300] : memref<2600000x16xf32, #tpu.memory_space<hbm>> -> memref<2600000x16xf32, #tpu.memory_space<hbm>>
    tpu.enqueue_indirect_dma source(%dma_start3A_301 : memref<2600000x16xf32, #tpu.memory_space<hbm>>) target(%arg11 : memref<512x16xf32, #tpu.memory_space<vmem>>) offsets(%dma_start3A_298 : memref<512xi32, #tpu.memory_space<vmem>>) semaphore(%arg14 : memref<!tpu.dma_semaphore, #tpu.memory_space<semaphore_mem>>)
    %dma_wait3A_302 = arith.constant 7680 : i32
    %dma_wait3A_303 = tpu.memref_slice %arg5[%dma_wait3A_302] : memref<13312xi32, #tpu.memory_space<vmem>> -> memref<512xi32, #tpu.memory_space<vmem>>
    %dma_wait3A_304 = arith.constant 0 : i32
    %dma_wait3A_305 = arith.constant 0 : i32
    %dma_wait3A_306 = tpu.memref_slice %arg2[%dma_wait3A_304, %dma_wait3A_305] : memref<2600000x16xf32, #tpu.memory_space<hbm>> -> memref<2600000x16xf32, #tpu.memory_space<hbm>>
    tpu.wait_indirect_dma semaphore(%arg14 : memref<!tpu.dma_semaphore, #tpu.memory_space<semaphore_mem>>) src(%dma_wait3A_306 : memref<2600000x16xf32, #tpu.memory_space<hbm>>) dst(%arg13 : memref<512x16xf32, #tpu.memory_space<vmem>>)
    %dma_start3A_307 = arith.constant 240 : i32
    %dma_start3A_308 = tpu.memref_slice %arg4[%mul3A_2, %dma_start3A_307] : memref<16384x426xf32, #tpu.memory_space<hbm>> -> memref<512x16xf32, #tpu.memory_space<hbm>>
    %dma_start3A_309 = arith.constant 240 : i32
    %dma_start3A_310 = tpu.memref_slice %arg4[%mul3A_2, %dma_start3A_309] : memref<16384x426xf32, #tpu.memory_space<hbm>> -> memref<512x16xf32, #tpu.memory_space<hbm>>
    tpu.enqueue_dma source(%arg13 : memref<512x16xf32, #tpu.memory_space<vmem>>) target(%dma_start3A_310 : memref<512x16xf32, #tpu.memory_space<hbm>>) target_semaphore(%arg15 : memref<!tpu.dma_semaphore, #tpu.memory_space<semaphore_mem>>)
    %dma_wait3A_311 = arith.constant 224 : i32
    %dma_wait3A_312 = tpu.memref_slice %arg4[%mul3A_2, %dma_wait3A_311] : memref<16384x426xf32, #tpu.memory_space<hbm>> -> memref<512x16xf32, #tpu.memory_space<hbm>>
    %dma_wait3A_313 = arith.constant 224 : i32
    %dma_wait3A_314 = tpu.memref_slice %arg4[%mul3A_2, %dma_wait3A_313] : memref<16384x426xf32, #tpu.memory_space<hbm>> -> memref<512x16xf32, #tpu.memory_space<hbm>>
    tpu.wait_dma2 semaphore(%arg15 : memref<!tpu.dma_semaphore, #tpu.memory_space<semaphore_mem>>) src(%arg12 : memref<512x16xf32, #tpu.memory_space<vmem>>) dst(%dma_wait3A_314 : memref<512x16xf32, #tpu.memory_space<hbm>>)
    %dma_start3A_315 = arith.constant 11264 : i32
    %dma_start3A_316 = tpu.memref_slice %arg5[%dma_start3A_315] : memref<13312xi32, #tpu.memory_space<vmem>> -> memref<512xi32, #tpu.memory_space<vmem>>
    %dma_start3A_317 = arith.constant 0 : i32
    %dma_start3A_318 = arith.constant 0 : i32
    %dma_start3A_319 = tpu.memref_slice %arg2[%dma_start3A_317, %dma_start3A_318] : memref<2600000x16xf32, #tpu.memory_space<hbm>> -> memref<2600000x16xf32, #tpu.memory_space<hbm>>
    tpu.enqueue_indirect_dma source(%dma_start3A_319 : memref<2600000x16xf32, #tpu.memory_space<hbm>>) target(%arg12 : memref<512x16xf32, #tpu.memory_space<vmem>>) offsets(%dma_start3A_316 : memref<512xi32, #tpu.memory_space<vmem>>) semaphore(%arg14 : memref<!tpu.dma_semaphore, #tpu.memory_space<semaphore_mem>>)
    %dma_wait3A_320 = arith.constant 8192 : i32
    %dma_wait3A_321 = tpu.memref_slice %arg5[%dma_wait3A_320] : memref<13312xi32, #tpu.memory_space<vmem>> -> memref<512xi32, #tpu.memory_space<vmem>>
    %dma_wait3A_322 = arith.constant 0 : i32
    %dma_wait3A_323 = arith.constant 0 : i32
    %dma_wait3A_324 = tpu.memref_slice %arg2[%dma_wait3A_322, %dma_wait3A_323] : memref<2600000x16xf32, #tpu.memory_space<hbm>> -> memref<2600000x16xf32, #tpu.memory_space<hbm>>
    tpu.wait_indirect_dma semaphore(%arg14 : memref<!tpu.dma_semaphore, #tpu.memory_space<semaphore_mem>>) src(%dma_wait3A_324 : memref<2600000x16xf32, #tpu.memory_space<hbm>>) dst(%arg6 : memref<512x16xf32, #tpu.memory_space<vmem>>)
    %dma_start3A_325 = arith.constant 256 : i32
    %dma_start3A_326 = tpu.memref_slice %arg4[%mul3A_2, %dma_start3A_325] : memref<16384x426xf32, #tpu.memory_space<hbm>> -> memref<512x16xf32, #tpu.memory_space<hbm>>
    %dma_start3A_327 = arith.constant 256 : i32
    %dma_start3A_328 = tpu.memref_slice %arg4[%mul3A_2, %dma_start3A_327] : memref<16384x426xf32, #tpu.memory_space<hbm>> -> memref<512x16xf32, #tpu.memory_space<hbm>>
    tpu.enqueue_dma source(%arg6 : memref<512x16xf32, #tpu.memory_space<vmem>>) target(%dma_start3A_328 : memref<512x16xf32, #tpu.memory_space<hbm>>) target_semaphore(%arg15 : memref<!tpu.dma_semaphore, #tpu.memory_space<semaphore_mem>>)
    %dma_wait3A_329 = arith.constant 240 : i32
    %dma_wait3A_330 = tpu.memref_slice %arg4[%mul3A_2, %dma_wait3A_329] : memref<16384x426xf32, #tpu.memory_space<hbm>> -> memref<512x16xf32, #tpu.memory_space<hbm>>
    %dma_wait3A_331 = arith.constant 240 : i32
    %dma_wait3A_332 = tpu.memref_slice %arg4[%mul3A_2, %dma_wait3A_331] : memref<16384x426xf32, #tpu.memory_space<hbm>> -> memref<512x16xf32, #tpu.memory_space<hbm>>
    tpu.wait_dma2 semaphore(%arg15 : memref<!tpu.dma_semaphore, #tpu.memory_space<semaphore_mem>>) src(%arg13 : memref<512x16xf32, #tpu.memory_space<vmem>>) dst(%dma_wait3A_332 : memref<512x16xf32, #tpu.memory_space<hbm>>)
    %dma_start3A_333 = arith.constant 11776 : i32
    %dma_start3A_334 = tpu.memref_slice %arg5[%dma_start3A_333] : memref<13312xi32, #tpu.memory_space<vmem>> -> memref<512xi32, #tpu.memory_space<vmem>>
    %dma_start3A_335 = arith.constant 0 : i32
    %dma_start3A_336 = arith.constant 0 : i32
    %dma_start3A_337 = tpu.memref_slice %arg2[%dma_start3A_335, %dma_start3A_336] : memref<2600000x16xf32, #tpu.memory_space<hbm>> -> memref<2600000x16xf32, #tpu.memory_space<hbm>>
    tpu.enqueue_indirect_dma source(%dma_start3A_337 : memref<2600000x16xf32, #tpu.memory_space<hbm>>) target(%arg13 : memref<512x16xf32, #tpu.memory_space<vmem>>) offsets(%dma_start3A_334 : memref<512xi32, #tpu.memory_space<vmem>>) semaphore(%arg14 : memref<!tpu.dma_semaphore, #tpu.memory_space<semaphore_mem>>)
    %dma_wait3A_338 = arith.constant 8704 : i32
    %dma_wait3A_339 = tpu.memref_slice %arg5[%dma_wait3A_338] : memref<13312xi32, #tpu.memory_space<vmem>> -> memref<512xi32, #tpu.memory_space<vmem>>
    %dma_wait3A_340 = arith.constant 0 : i32
    %dma_wait3A_341 = arith.constant 0 : i32
    %dma_wait3A_342 = tpu.memref_slice %arg2[%dma_wait3A_340, %dma_wait3A_341] : memref<2600000x16xf32, #tpu.memory_space<hbm>> -> memref<2600000x16xf32, #tpu.memory_space<hbm>>
    tpu.wait_indirect_dma semaphore(%arg14 : memref<!tpu.dma_semaphore, #tpu.memory_space<semaphore_mem>>) src(%dma_wait3A_342 : memref<2600000x16xf32, #tpu.memory_space<hbm>>) dst(%arg7 : memref<512x16xf32, #tpu.memory_space<vmem>>)
    %dma_start3A_343 = arith.constant 272 : i32
    %dma_start3A_344 = tpu.memref_slice %arg4[%mul3A_2, %dma_start3A_343] : memref<16384x426xf32, #tpu.memory_space<hbm>> -> memref<512x16xf32, #tpu.memory_space<hbm>>
    %dma_start3A_345 = arith.constant 272 : i32
    %dma_start3A_346 = tpu.memref_slice %arg4[%mul3A_2, %dma_start3A_345] : memref<16384x426xf32, #tpu.memory_space<hbm>> -> memref<512x16xf32, #tpu.memory_space<hbm>>
    tpu.enqueue_dma source(%arg7 : memref<512x16xf32, #tpu.memory_space<vmem>>) target(%dma_start3A_346 : memref<512x16xf32, #tpu.memory_space<hbm>>) target_semaphore(%arg15 : memref<!tpu.dma_semaphore, #tpu.memory_space<semaphore_mem>>)
    %dma_wait3A_347 = arith.constant 256 : i32
    %dma_wait3A_348 = tpu.memref_slice %arg4[%mul3A_2, %dma_wait3A_347] : memref<16384x426xf32, #tpu.memory_space<hbm>> -> memref<512x16xf32, #tpu.memory_space<hbm>>
    %dma_wait3A_349 = arith.constant 256 : i32
    %dma_wait3A_350 = tpu.memref_slice %arg4[%mul3A_2, %dma_wait3A_349] : memref<16384x426xf32, #tpu.memory_space<hbm>> -> memref<512x16xf32, #tpu.memory_space<hbm>>
    tpu.wait_dma2 semaphore(%arg15 : memref<!tpu.dma_semaphore, #tpu.memory_space<semaphore_mem>>) src(%arg6 : memref<512x16xf32, #tpu.memory_space<vmem>>) dst(%dma_wait3A_350 : memref<512x16xf32, #tpu.memory_space<hbm>>)
    %dma_start3A_351 = arith.constant 12288 : i32
    %dma_start3A_352 = tpu.memref_slice %arg5[%dma_start3A_351] : memref<13312xi32, #tpu.memory_space<vmem>> -> memref<512xi32, #tpu.memory_space<vmem>>
    %dma_start3A_353 = arith.constant 0 : i32
    %dma_start3A_354 = arith.constant 0 : i32
    %dma_start3A_355 = tpu.memref_slice %arg2[%dma_start3A_353, %dma_start3A_354] : memref<2600000x16xf32, #tpu.memory_space<hbm>> -> memref<2600000x16xf32, #tpu.memory_space<hbm>>
    tpu.enqueue_indirect_dma source(%dma_start3A_355 : memref<2600000x16xf32, #tpu.memory_space<hbm>>) target(%arg6 : memref<512x16xf32, #tpu.memory_space<vmem>>) offsets(%dma_start3A_352 : memref<512xi32, #tpu.memory_space<vmem>>) semaphore(%arg14 : memref<!tpu.dma_semaphore, #tpu.memory_space<semaphore_mem>>)
    %dma_wait3A_356 = arith.constant 9216 : i32
    %dma_wait3A_357 = tpu.memref_slice %arg5[%dma_wait3A_356] : memref<13312xi32, #tpu.memory_space<vmem>> -> memref<512xi32, #tpu.memory_space<vmem>>
    %dma_wait3A_358 = arith.constant 0 : i32
    %dma_wait3A_359 = arith.constant 0 : i32
    %dma_wait3A_360 = tpu.memref_slice %arg2[%dma_wait3A_358, %dma_wait3A_359] : memref<2600000x16xf32, #tpu.memory_space<hbm>> -> memref<2600000x16xf32, #tpu.memory_space<hbm>>
    tpu.wait_indirect_dma semaphore(%arg14 : memref<!tpu.dma_semaphore, #tpu.memory_space<semaphore_mem>>) src(%dma_wait3A_360 : memref<2600000x16xf32, #tpu.memory_space<hbm>>) dst(%arg8 : memref<512x16xf32, #tpu.memory_space<vmem>>)
    %dma_start3A_361 = arith.constant 288 : i32
    %dma_start3A_362 = tpu.memref_slice %arg4[%mul3A_2, %dma_start3A_361] : memref<16384x426xf32, #tpu.memory_space<hbm>> -> memref<512x16xf32, #tpu.memory_space<hbm>>
    %dma_start3A_363 = arith.constant 288 : i32
    %dma_start3A_364 = tpu.memref_slice %arg4[%mul3A_2, %dma_start3A_363] : memref<16384x426xf32, #tpu.memory_space<hbm>> -> memref<512x16xf32, #tpu.memory_space<hbm>>
    tpu.enqueue_dma source(%arg8 : memref<512x16xf32, #tpu.memory_space<vmem>>) target(%dma_start3A_364 : memref<512x16xf32, #tpu.memory_space<hbm>>) target_semaphore(%arg15 : memref<!tpu.dma_semaphore, #tpu.memory_space<semaphore_mem>>)
    %dma_wait3A_365 = arith.constant 272 : i32
    %dma_wait3A_366 = tpu.memref_slice %arg4[%mul3A_2, %dma_wait3A_365] : memref<16384x426xf32, #tpu.memory_space<hbm>> -> memref<512x16xf32, #tpu.memory_space<hbm>>
    %dma_wait3A_367 = arith.constant 272 : i32
    %dma_wait3A_368 = tpu.memref_slice %arg4[%mul3A_2, %dma_wait3A_367] : memref<16384x426xf32, #tpu.memory_space<hbm>> -> memref<512x16xf32, #tpu.memory_space<hbm>>
    tpu.wait_dma2 semaphore(%arg15 : memref<!tpu.dma_semaphore, #tpu.memory_space<semaphore_mem>>) src(%arg7 : memref<512x16xf32, #tpu.memory_space<vmem>>) dst(%dma_wait3A_368 : memref<512x16xf32, #tpu.memory_space<hbm>>)
    %dma_start3A_369 = arith.constant 12800 : i32
    %dma_start3A_370 = tpu.memref_slice %arg5[%dma_start3A_369] : memref<13312xi32, #tpu.memory_space<vmem>> -> memref<512xi32, #tpu.memory_space<vmem>>
    %dma_start3A_371 = arith.constant 0 : i32
    %dma_start3A_372 = arith.constant 0 : i32
    %dma_start3A_373 = tpu.memref_slice %arg2[%dma_start3A_371, %dma_start3A_372] : memref<2600000x16xf32, #tpu.memory_space<hbm>> -> memref<2600000x16xf32, #tpu.memory_space<hbm>>
    tpu.enqueue_indirect_dma source(%dma_start3A_373 : memref<2600000x16xf32, #tpu.memory_space<hbm>>) target(%arg7 : memref<512x16xf32, #tpu.memory_space<vmem>>) offsets(%dma_start3A_370 : memref<512xi32, #tpu.memory_space<vmem>>) semaphore(%arg14 : memref<!tpu.dma_semaphore, #tpu.memory_space<semaphore_mem>>)
    %dma_wait3A_374 = arith.constant 9728 : i32
    %dma_wait3A_375 = tpu.memref_slice %arg5[%dma_wait3A_374] : memref<13312xi32, #tpu.memory_space<vmem>> -> memref<512xi32, #tpu.memory_space<vmem>>
    %dma_wait3A_376 = arith.constant 0 : i32
    %dma_wait3A_377 = arith.constant 0 : i32
    %dma_wait3A_378 = tpu.memref_slice %arg2[%dma_wait3A_376, %dma_wait3A_377] : memref<2600000x16xf32, #tpu.memory_space<hbm>> -> memref<2600000x16xf32, #tpu.memory_space<hbm>>
    tpu.wait_indirect_dma semaphore(%arg14 : memref<!tpu.dma_semaphore, #tpu.memory_space<semaphore_mem>>) src(%dma_wait3A_378 : memref<2600000x16xf32, #tpu.memory_space<hbm>>) dst(%arg9 : memref<512x16xf32, #tpu.memory_space<vmem>>)
    %dma_start3A_379 = arith.constant 304 : i32
    %dma_start3A_380 = tpu.memref_slice %arg4[%mul3A_2, %dma_start3A_379] : memref<16384x426xf32, #tpu.memory_space<hbm>> -> memref<512x16xf32, #tpu.memory_space<hbm>>
    %dma_start3A_381 = arith.constant 304 : i32
    %dma_start3A_382 = tpu.memref_slice %arg4[%mul3A_2, %dma_start3A_381] : memref<16384x426xf32, #tpu.memory_space<hbm>> -> memref<512x16xf32, #tpu.memory_space<hbm>>
    tpu.enqueue_dma source(%arg9 : memref<512x16xf32, #tpu.memory_space<vmem>>) target(%dma_start3A_382 : memref<512x16xf32, #tpu.memory_space<hbm>>) target_semaphore(%arg15 : memref<!tpu.dma_semaphore, #tpu.memory_space<semaphore_mem>>)
    %dma_wait3A_383 = arith.constant 288 : i32
    %dma_wait3A_384 = tpu.memref_slice %arg4[%mul3A_2, %dma_wait3A_383] : memref<16384x426xf32, #tpu.memory_space<hbm>> -> memref<512x16xf32, #tpu.memory_space<hbm>>
    %dma_wait3A_385 = arith.constant 288 : i32
    %dma_wait3A_386 = tpu.memref_slice %arg4[%mul3A_2, %dma_wait3A_385] : memref<16384x426xf32, #tpu.memory_space<hbm>> -> memref<512x16xf32, #tpu.memory_space<hbm>>
    tpu.wait_dma2 semaphore(%arg15 : memref<!tpu.dma_semaphore, #tpu.memory_space<semaphore_mem>>) src(%arg8 : memref<512x16xf32, #tpu.memory_space<vmem>>) dst(%dma_wait3A_386 : memref<512x16xf32, #tpu.memory_space<hbm>>)
    %dma_wait3A_387 = arith.constant 10240 : i32
    %dma_wait3A_388 = tpu.memref_slice %arg5[%dma_wait3A_387] : memref<13312xi32, #tpu.memory_space<vmem>> -> memref<512xi32, #tpu.memory_space<vmem>>
    %dma_wait3A_389 = arith.constant 0 : i32
    %dma_wait3A_390 = arith.constant 0 : i32
    %dma_wait3A_391 = tpu.memref_slice %arg2[%dma_wait3A_389, %dma_wait3A_390] : memref<2600000x16xf32, #tpu.memory_space<hbm>> -> memref<2600000x16xf32, #tpu.memory_space<hbm>>
    tpu.wait_indirect_dma semaphore(%arg14 : memref<!tpu.dma_semaphore, #tpu.memory_space<semaphore_mem>>) src(%dma_wait3A_391 : memref<2600000x16xf32, #tpu.memory_space<hbm>>) dst(%arg10 : memref<512x16xf32, #tpu.memory_space<vmem>>)
    %dma_start3A_392 = arith.constant 320 : i32
    %dma_start3A_393 = tpu.memref_slice %arg4[%mul3A_2, %dma_start3A_392] : memref<16384x426xf32, #tpu.memory_space<hbm>> -> memref<512x16xf32, #tpu.memory_space<hbm>>
    %dma_start3A_394 = arith.constant 320 : i32
    %dma_start3A_395 = tpu.memref_slice %arg4[%mul3A_2, %dma_start3A_394] : memref<16384x426xf32, #tpu.memory_space<hbm>> -> memref<512x16xf32, #tpu.memory_space<hbm>>
    tpu.enqueue_dma source(%arg10 : memref<512x16xf32, #tpu.memory_space<vmem>>) target(%dma_start3A_395 : memref<512x16xf32, #tpu.memory_space<hbm>>) target_semaphore(%arg15 : memref<!tpu.dma_semaphore, #tpu.memory_space<semaphore_mem>>)
    %dma_wait3A_396 = arith.constant 304 : i32
    %dma_wait3A_397 = tpu.memref_slice %arg4[%mul3A_2, %dma_wait3A_396] : memref<16384x426xf32, #tpu.memory_space<hbm>> -> memref<512x16xf32, #tpu.memory_space<hbm>>
    %dma_wait3A_398 = arith.constant 304 : i32
    %dma_wait3A_399 = tpu.memref_slice %arg4[%mul3A_2, %dma_wait3A_398] : memref<16384x426xf32, #tpu.memory_space<hbm>> -> memref<512x16xf32, #tpu.memory_space<hbm>>
    tpu.wait_dma2 semaphore(%arg15 : memref<!tpu.dma_semaphore, #tpu.memory_space<semaphore_mem>>) src(%arg9 : memref<512x16xf32, #tpu.memory_space<vmem>>) dst(%dma_wait3A_399 : memref<512x16xf32, #tpu.memory_space<hbm>>)
    %dma_wait3A_400 = arith.constant 10752 : i32
    %dma_wait3A_401 = tpu.memref_slice %arg5[%dma_wait3A_400] : memref<13312xi32, #tpu.memory_space<vmem>> -> memref<512xi32, #tpu.memory_space<vmem>>
    %dma_wait3A_402 = arith.constant 0 : i32
    %dma_wait3A_403 = arith.constant 0 : i32
    %dma_wait3A_404 = tpu.memref_slice %arg2[%dma_wait3A_402, %dma_wait3A_403] : memref<2600000x16xf32, #tpu.memory_space<hbm>> -> memref<2600000x16xf32, #tpu.memory_space<hbm>>
    tpu.wait_indirect_dma semaphore(%arg14 : memref<!tpu.dma_semaphore, #tpu.memory_space<semaphore_mem>>) src(%dma_wait3A_404 : memref<2600000x16xf32, #tpu.memory_space<hbm>>) dst(%arg11 : memref<512x16xf32, #tpu.memory_space<vmem>>)
    %dma_start3A_405 = arith.constant 336 : i32
    %dma_start3A_406 = tpu.memref_slice %arg4[%mul3A_2, %dma_start3A_405] : memref<16384x426xf32, #tpu.memory_space<hbm>> -> memref<512x16xf32, #tpu.memory_space<hbm>>
    %dma_start3A_407 = arith.constant 336 : i32
    %dma_start3A_408 = tpu.memref_slice %arg4[%mul3A_2, %dma_start3A_407] : memref<16384x426xf32, #tpu.memory_space<hbm>> -> memref<512x16xf32, #tpu.memory_space<hbm>>
    tpu.enqueue_dma source(%arg11 : memref<512x16xf32, #tpu.memory_space<vmem>>) target(%dma_start3A_408 : memref<512x16xf32, #tpu.memory_space<hbm>>) target_semaphore(%arg15 : memref<!tpu.dma_semaphore, #tpu.memory_space<semaphore_mem>>)
    %dma_wait3A_409 = arith.constant 320 : i32
    %dma_wait3A_410 = tpu.memref_slice %arg4[%mul3A_2, %dma_wait3A_409] : memref<16384x426xf32, #tpu.memory_space<hbm>> -> memref<512x16xf32, #tpu.memory_space<hbm>>
    %dma_wait3A_411 = arith.constant 320 : i32
    %dma_wait3A_412 = tpu.memref_slice %arg4[%mul3A_2, %dma_wait3A_411] : memref<16384x426xf32, #tpu.memory_space<hbm>> -> memref<512x16xf32, #tpu.memory_space<hbm>>
    tpu.wait_dma2 semaphore(%arg15 : memref<!tpu.dma_semaphore, #tpu.memory_space<semaphore_mem>>) src(%arg10 : memref<512x16xf32, #tpu.memory_space<vmem>>) dst(%dma_wait3A_412 : memref<512x16xf32, #tpu.memory_space<hbm>>)
    %dma_wait3A_413 = arith.constant 11264 : i32
    %dma_wait3A_414 = tpu.memref_slice %arg5[%dma_wait3A_413] : memref<13312xi32, #tpu.memory_space<vmem>> -> memref<512xi32, #tpu.memory_space<vmem>>
    %dma_wait3A_415 = arith.constant 0 : i32
    %dma_wait3A_416 = arith.constant 0 : i32
    %dma_wait3A_417 = tpu.memref_slice %arg2[%dma_wait3A_415, %dma_wait3A_416] : memref<2600000x16xf32, #tpu.memory_space<hbm>> -> memref<2600000x16xf32, #tpu.memory_space<hbm>>
    tpu.wait_indirect_dma semaphore(%arg14 : memref<!tpu.dma_semaphore, #tpu.memory_space<semaphore_mem>>) src(%dma_wait3A_417 : memref<2600000x16xf32, #tpu.memory_space<hbm>>) dst(%arg12 : memref<512x16xf32, #tpu.memory_space<vmem>>)
    %dma_start3A_418 = arith.constant 352 : i32
    %dma_start3A_419 = tpu.memref_slice %arg4[%mul3A_2, %dma_start3A_418] : memref<16384x426xf32, #tpu.memory_space<hbm>> -> memref<512x16xf32, #tpu.memory_space<hbm>>
    %dma_start3A_420 = arith.constant 352 : i32
    %dma_start3A_421 = tpu.memref_slice %arg4[%mul3A_2, %dma_start3A_420] : memref<16384x426xf32, #tpu.memory_space<hbm>> -> memref<512x16xf32, #tpu.memory_space<hbm>>
    tpu.enqueue_dma source(%arg12 : memref<512x16xf32, #tpu.memory_space<vmem>>) target(%dma_start3A_421 : memref<512x16xf32, #tpu.memory_space<hbm>>) target_semaphore(%arg15 : memref<!tpu.dma_semaphore, #tpu.memory_space<semaphore_mem>>)
    %dma_wait3A_422 = arith.constant 336 : i32
    %dma_wait3A_423 = tpu.memref_slice %arg4[%mul3A_2, %dma_wait3A_422] : memref<16384x426xf32, #tpu.memory_space<hbm>> -> memref<512x16xf32, #tpu.memory_space<hbm>>
    %dma_wait3A_424 = arith.constant 336 : i32
    %dma_wait3A_425 = tpu.memref_slice %arg4[%mul3A_2, %dma_wait3A_424] : memref<16384x426xf32, #tpu.memory_space<hbm>> -> memref<512x16xf32, #tpu.memory_space<hbm>>
    tpu.wait_dma2 semaphore(%arg15 : memref<!tpu.dma_semaphore, #tpu.memory_space<semaphore_mem>>) src(%arg11 : memref<512x16xf32, #tpu.memory_space<vmem>>) dst(%dma_wait3A_425 : memref<512x16xf32, #tpu.memory_space<hbm>>)
    %dma_wait3A_426 = arith.constant 11776 : i32
    %dma_wait3A_427 = tpu.memref_slice %arg5[%dma_wait3A_426] : memref<13312xi32, #tpu.memory_space<vmem>> -> memref<512xi32, #tpu.memory_space<vmem>>
    %dma_wait3A_428 = arith.constant 0 : i32
    %dma_wait3A_429 = arith.constant 0 : i32
    %dma_wait3A_430 = tpu.memref_slice %arg2[%dma_wait3A_428, %dma_wait3A_429] : memref<2600000x16xf32, #tpu.memory_space<hbm>> -> memref<2600000x16xf32, #tpu.memory_space<hbm>>
    tpu.wait_indirect_dma semaphore(%arg14 : memref<!tpu.dma_semaphore, #tpu.memory_space<semaphore_mem>>) src(%dma_wait3A_430 : memref<2600000x16xf32, #tpu.memory_space<hbm>>) dst(%arg13 : memref<512x16xf32, #tpu.memory_space<vmem>>)
    %dma_start3A_431 = arith.constant 368 : i32
    %dma_start3A_432 = tpu.memref_slice %arg4[%mul3A_2, %dma_start3A_431] : memref<16384x426xf32, #tpu.memory_space<hbm>> -> memref<512x16xf32, #tpu.memory_space<hbm>>
    %dma_start3A_433 = arith.constant 368 : i32
    %dma_start3A_434 = tpu.memref_slice %arg4[%mul3A_2, %dma_start3A_433] : memref<16384x426xf32, #tpu.memory_space<hbm>> -> memref<512x16xf32, #tpu.memory_space<hbm>>
    tpu.enqueue_dma source(%arg13 : memref<512x16xf32, #tpu.memory_space<vmem>>) target(%dma_start3A_434 : memref<512x16xf32, #tpu.memory_space<hbm>>) target_semaphore(%arg15 : memref<!tpu.dma_semaphore, #tpu.memory_space<semaphore_mem>>)
    %dma_wait3A_435 = arith.constant 352 : i32
    %dma_wait3A_436 = tpu.memref_slice %arg4[%mul3A_2, %dma_wait3A_435] : memref<16384x426xf32, #tpu.memory_space<hbm>> -> memref<512x16xf32, #tpu.memory_space<hbm>>
    %dma_wait3A_437 = arith.constant 352 : i32
    %dma_wait3A_438 = tpu.memref_slice %arg4[%mul3A_2, %dma_wait3A_437] : memref<16384x426xf32, #tpu.memory_space<hbm>> -> memref<512x16xf32, #tpu.memory_space<hbm>>
    tpu.wait_dma2 semaphore(%arg15 : memref<!tpu.dma_semaphore, #tpu.memory_space<semaphore_mem>>) src(%arg12 : memref<512x16xf32, #tpu.memory_space<vmem>>) dst(%dma_wait3A_438 : memref<512x16xf32, #tpu.memory_space<hbm>>)
    %dma_wait3A_439 = arith.constant 12288 : i32
    %dma_wait3A_440 = tpu.memref_slice %arg5[%dma_wait3A_439] : memref<13312xi32, #tpu.memory_space<vmem>> -> memref<512xi32, #tpu.memory_space<vmem>>
    %dma_wait3A_441 = arith.constant 0 : i32
    %dma_wait3A_442 = arith.constant 0 : i32
    %dma_wait3A_443 = tpu.memref_slice %arg2[%dma_wait3A_441, %dma_wait3A_442] : memref<2600000x16xf32, #tpu.memory_space<hbm>> -> memref<2600000x16xf32, #tpu.memory_space<hbm>>
    tpu.wait_indirect_dma semaphore(%arg14 : memref<!tpu.dma_semaphore, #tpu.memory_space<semaphore_mem>>) src(%dma_wait3A_443 : memref<2600000x16xf32, #tpu.memory_space<hbm>>) dst(%arg6 : memref<512x16xf32, #tpu.memory_space<vmem>>)
    %dma_start3A_444 = arith.constant 384 : i32
    %dma_start3A_445 = tpu.memref_slice %arg4[%mul3A_2, %dma_start3A_444] : memref<16384x426xf32, #tpu.memory_space<hbm>> -> memref<512x16xf32, #tpu.memory_space<hbm>>
    %dma_start3A_446 = arith.constant 384 : i32
    %dma_start3A_447 = tpu.memref_slice %arg4[%mul3A_2, %dma_start3A_446] : memref<16384x426xf32, #tpu.memory_space<hbm>> -> memref<512x16xf32, #tpu.memory_space<hbm>>
    tpu.enqueue_dma source(%arg6 : memref<512x16xf32, #tpu.memory_space<vmem>>) target(%dma_start3A_447 : memref<512x16xf32, #tpu.memory_space<hbm>>) target_semaphore(%arg15 : memref<!tpu.dma_semaphore, #tpu.memory_space<semaphore_mem>>)
    %dma_wait3A_448 = arith.constant 368 : i32
    %dma_wait3A_449 = tpu.memref_slice %arg4[%mul3A_2, %dma_wait3A_448] : memref<16384x426xf32, #tpu.memory_space<hbm>> -> memref<512x16xf32, #tpu.memory_space<hbm>>
    %dma_wait3A_450 = arith.constant 368 : i32
    %dma_wait3A_451 = tpu.memref_slice %arg4[%mul3A_2, %dma_wait3A_450] : memref<16384x426xf32, #tpu.memory_space<hbm>> -> memref<512x16xf32, #tpu.memory_space<hbm>>
    tpu.wait_dma2 semaphore(%arg15 : memref<!tpu.dma_semaphore, #tpu.memory_space<semaphore_mem>>) src(%arg13 : memref<512x16xf32, #tpu.memory_space<vmem>>) dst(%dma_wait3A_451 : memref<512x16xf32, #tpu.memory_space<hbm>>)
    %dma_wait3A_452 = arith.constant 12800 : i32
    %dma_wait3A_453 = tpu.memref_slice %arg5[%dma_wait3A_452] : memref<13312xi32, #tpu.memory_space<vmem>> -> memref<512xi32, #tpu.memory_space<vmem>>
    %dma_wait3A_454 = arith.constant 0 : i32
    %dma_wait3A_455 = arith.constant 0 : i32
    %dma_wait3A_456 = tpu.memref_slice %arg2[%dma_wait3A_454, %dma_wait3A_455] : memref<2600000x16xf32, #tpu.memory_space<hbm>> -> memref<2600000x16xf32, #tpu.memory_space<hbm>>
    tpu.wait_indirect_dma semaphore(%arg14 : memref<!tpu.dma_semaphore, #tpu.memory_space<semaphore_mem>>) src(%dma_wait3A_456 : memref<2600000x16xf32, #tpu.memory_space<hbm>>) dst(%arg7 : memref<512x16xf32, #tpu.memory_space<vmem>>)
    %dma_start3A_457 = arith.constant 400 : i32
    %dma_start3A_458 = tpu.memref_slice %arg4[%mul3A_2, %dma_start3A_457] : memref<16384x426xf32, #tpu.memory_space<hbm>> -> memref<512x16xf32, #tpu.memory_space<hbm>>
    %dma_start3A_459 = arith.constant 400 : i32
    %dma_start3A_460 = tpu.memref_slice %arg4[%mul3A_2, %dma_start3A_459] : memref<16384x426xf32, #tpu.memory_space<hbm>> -> memref<512x16xf32, #tpu.memory_space<hbm>>
    tpu.enqueue_dma source(%arg7 : memref<512x16xf32, #tpu.memory_space<vmem>>) target(%dma_start3A_460 : memref<512x16xf32, #tpu.memory_space<hbm>>) target_semaphore(%arg15 : memref<!tpu.dma_semaphore, #tpu.memory_space<semaphore_mem>>)
    %dma_wait3A_461 = arith.constant 384 : i32
    %dma_wait3A_462 = tpu.memref_slice %arg4[%mul3A_2, %dma_wait3A_461] : memref<16384x426xf32, #tpu.memory_space<hbm>> -> memref<512x16xf32, #tpu.memory_space<hbm>>
    %dma_wait3A_463 = arith.constant 384 : i32
    %dma_wait3A_464 = tpu.memref_slice %arg4[%mul3A_2, %dma_wait3A_463] : memref<16384x426xf32, #tpu.memory_space<hbm>> -> memref<512x16xf32, #tpu.memory_space<hbm>>
    tpu.wait_dma2 semaphore(%arg15 : memref<!tpu.dma_semaphore, #tpu.memory_space<semaphore_mem>>) src(%arg6 : memref<512x16xf32, #tpu.memory_space<vmem>>) dst(%dma_wait3A_464 : memref<512x16xf32, #tpu.memory_space<hbm>>)
    %dma_wait3A_465 = arith.constant 400 : i32
    %dma_wait3A_466 = tpu.memref_slice %arg4[%mul3A_2, %dma_wait3A_465] : memref<16384x426xf32, #tpu.memory_space<hbm>> -> memref<512x16xf32, #tpu.memory_space<hbm>>
    %dma_wait3A_467 = arith.constant 400 : i32
    %dma_wait3A_468 = tpu.memref_slice %arg4[%mul3A_2, %dma_wait3A_467] : memref<16384x426xf32, #tpu.memory_space<hbm>> -> memref<512x16xf32, #tpu.memory_space<hbm>>
    tpu.wait_dma2 semaphore(%arg15 : memref<!tpu.dma_semaphore, #tpu.memory_space<semaphore_mem>>) src(%arg7 : memref<512x16xf32, #tpu.memory_space<vmem>>) dst(%dma_wait3A_468 : memref<512x16xf32, #tpu.memory_space<hbm>>)
    return
  }
}

module attributes {stable_mosaic.version = 14 : i64} {
  func.func @_tc_patch(%arg0: i32, %arg1: memref<256x10xf32, #tpu.memory_space<vmem>>, %arg2: memref<1x10xf32, #tpu.memory_space<vmem>>, %arg3: memref<1x10xf32, #tpu.memory_space<vmem>>, %arg4: memref<256x128xf32, #tpu.memory_space<vmem>>, %arg5: memref<256x128xf32, #tpu.memory_space<vmem>>) attributes {dimension_semantics = [#tpu.dimension_semantics<arbitrary>], iteration_bounds = array<i64: 64>, scalar_prefetch = 0 : i64, scratch_operands = 0 : i64, tpu.core_type = #tpu.core_type<tc>, window_params = [{transform_indices = @transform_0, window_bounds = array<i64: 256, 10>}, {pipeline_mode = #tpu.pipeline_mode<synchronous>, transform_indices = @transform_1, window_bounds = array<i64: 1, 10>}, {pipeline_mode = #tpu.pipeline_mode<synchronous>, transform_indices = @transform_2, window_bounds = array<i64: 1, 10>}, {transform_indices = @transform_3, window_bounds = array<i64: 256, 128>}, {transform_indices = @transform_4, window_bounds = array<i64: 256, 128>}]} {
    %get3A = arith.constant 0 : index
    %get3A_0 = arith.constant 0 : index
    %get3A_1 = vector.load %arg1[%get3A, %get3A_0] : memref<256x10xf32, #tpu.memory_space<vmem>>, vector<256x10xf32>
    %get3A_2 = arith.constant 0 : index
    %get3A_3 = arith.constant 0 : index
    %get3A_4 = vector.load %arg2[%get3A_2, %get3A_3] : memref<1x10xf32, #tpu.memory_space<vmem>>, vector<1x10xf32>
    %sub3A = vector.broadcast %get3A_4 : vector<1x10xf32> to vector<256x10xf32>
    %sub3A_5 = arith.subf %get3A_1, %sub3A : vector<256x10xf32>
    %get3A_6 = arith.constant 0 : index
    %get3A_7 = arith.constant 0 : index
    %get3A_8 = vector.load %arg3[%get3A_6, %get3A_7] : memref<1x10xf32, #tpu.memory_space<vmem>>, vector<1x10xf32>
    %mul3A = vector.broadcast %get3A_8 : vector<1x10xf32> to vector<256x10xf32>
    %mul3A_9 = arith.mulf %sub3A_5, %mul3A : vector<256x10xf32>
    %get3A_10 = arith.constant 0 : index
    %get3A_11 = arith.constant 0 : index
    %get3A_12 = vector.load %arg4[%get3A_10, %get3A_11] : memref<256x128xf32, #tpu.memory_space<vmem>>, vector<256x128xf32>
    %swap3A = arith.constant 0 : index
    %swap3A_13 = arith.constant 0 : index
    %swap3A_14 = vector.load %arg5[%swap3A, %swap3A_13] : memref<256x128xf32, #tpu.memory_space<vmem>>, vector<256x128xf32>
    tpu.vector_store %arg5[%swap3A, %swap3A_13], %get3A_12 {strides = array<i32>} : memref<256x128xf32, #tpu.memory_space<vmem>>, vector<256x128xf32>,
    %swap3A_15 = arith.constant 0 : index
    %swap3A_16 = arith.constant 32 : index
    %swap3A_17 = vector.load %arg5[%swap3A_15, %swap3A_16] : memref<256x128xf32, #tpu.memory_space<vmem>>, vector<256x10xf32>
    tpu.vector_store %arg5[%swap3A_15, %swap3A_16], %mul3A_9 {strides = array<i32>} : memref<256x128xf32, #tpu.memory_space<vmem>>, vector<256x10xf32>,
    return
  }
  func.func @transform_0(%arg0: i32) -> (i32, i32) {
    %c0_i32 = arith.constant 0 : i32
    %c0_i32_0 = arith.constant 0 : i32
    return %arg0, %c0_i32 : i32, i32
  }
  func.func @transform_1(%arg0: i32) -> (i32, i32) {
    %c0_i32 = arith.constant 0 : i32
    %c0_i32_0 = arith.constant 0 : i32
    %c0_i32_1 = arith.constant 0 : i32
    return %c0_i32, %c0_i32_0 : i32, i32
  }
  func.func @transform_2(%arg0: i32) -> (i32, i32) {
    %c0_i32 = arith.constant 0 : i32
    %c0_i32_0 = arith.constant 0 : i32
    %c0_i32_1 = arith.constant 0 : i32
    return %c0_i32, %c0_i32_0 : i32, i32
  }
  func.func @transform_3(%arg0: i32) -> (i32, i32) {
    %c3_i32 = arith.constant 3 : i32
    %c0_i32 = arith.constant 0 : i32
    return %arg0, %c3_i32 : i32, i32
  }
  func.func @transform_4(%arg0: i32) -> (i32, i32) {
    %c3_i32 = arith.constant 3 : i32
    %c0_i32 = arith.constant 0 : i32
    return %arg0, %c3_i32 : i32, i32
  }
}

</mosaic_0001>

<sc_bundles>
// kernel: _run.4.cloned.1.call-start
scs
__scs_entry_jumppad:
0x0: {  	(pc) =	sbr.rel $0x88, $3  }
0x1: {  	(tag) =	ssettag $0x0;
	lr =	simm.s32 $0x1  }
0x2: {  	[smem:$0x3F9C] =	sst lr;
	_ =	strace $0xD0000000  }
0x3: {  	_ = 	snop  }
0x4: {  	_ = 	snop  }
0x5: {  	_ = 	snop  }
0x6: {  	_ = 	snop  }
0x7: {  	_ = 	snop  }
__scs_overlays_trampoline_lowered:
0x8: {  	[smem:$0x3FAB] =	sst s0  }
0x9: {  	[smem:$0x3FAC] =	sst s1  }
0xa: {  	[smem:$0x3FAD] =	sst s2  }
0xb: {  	[smem:$0x3FAE] =	sst s3  }
0xc: {  	[smem:$0x3FAF] =	sst s4  }
0xd: {  	[smem:$0x3FB0] =	sst s5  }
0xe: {  	[smem:$0x3FB1] =	sst s6  }
0xf: {  	[smem:$0x3FB2] =	sst s7  }
0x10: {  	[smem:$0x3FB3] =	sst s8  }
0x11: {  	[smem:$0x3FB4] =	sst s9;
	s0 =	simm.s32 @!p0 $0x0  }
0x12: {  	s1 =	sld [smem:$0x3F9A];
	s0 =	simm.s32 @p0 $0x1  }
0x13: {  	[smem:$0x3FB5] =	sst s0;
	s0 =	simm.s32 @!p1 $0x0  }
0x14: {  	s2 =	sld [smem:$0x3F99];
	s0 =	simm.s32 @p1 $0x1  }
0x15: {  	[smem:$0x3FB6] =	sst s0;
	s0 =	simm.s32 @!p2 $0x0  }
0x16: {  	s3 =	sld [smem:$0x3FDB];
	s0 =	simm.s32 @p2 $0x1  }
0x17: {  	s4 =	simm.s32 $0x1BF5;
	[smem:$0x3FB8] =	sst s0  }
0x18: {  	s0 =	sld [smem:$0x3F9B];
	_ =	swait.ge [sflag:s4], $0x0  }
0x19: {  	s7 =	sld [smem:$0x3F9C]  }
0x1a: {  	s8 =	sadd.s32 $0xFFFFE003, lr  }
0x1b: {  	s9 =	sadd.s32 $0xFFFFFEF7, lr;
	s5 =	simm.s32 $0xFFFFFFFF;
	p2 =	slt.u32 s8, $0xFFFFF086  }
0x1c: {  	p1 =	slt.u32 s9, $0xF7A;
	s5 =	simm.s32 @!p2 $0x0  }
0x1d: {  	s5 =	simm.s32 @p1 $0x1;
	p0 =	seq.s32 s7, s2  }
0x1e: {  	s7 =	smul.u32 @!p0 $0xF7A, s2;
	p2 =	seq.s32 @!p0 s5, $0x0  }
0x1f: {  	s9 =	smul.u32 $0xF7A, s1;
	s8 =	simm.s32 @!p0 $0x1BF5;
	p2 =	por !p2, p0  }
0x20: {  	[sflag:s8] =	ssyncset.s32 @!p0 $0xFFFFF086;
	s6 =	sadd.s32 @!p0 s3, s7;
	s7 =	simm.s32 @!p0 $0x108  }
0x21: {  	s3 =	sadd.s32 s3, s9;
	s6 =	sadd.s32 @!p0 $0x88, s6;
	s7 =	simm.s32 @p2 $0x1082  }
0x22: {  	[simem:s7], [sflag:s8] =	dma.local @!p0 [hbm:s6], $0xF7A  }
0x23: {  	s9 =	sor.u32 $0xD0000000, s2;
	s6 =	simm.s32 $0x108;
	_ =	swait.ge @!p0 [sflag:s8], $0x0  }
0x24: {  	s3 =	sadd.s32 $0x88, s3;
	s6 =	simm.s32 @!p1 $0x1082;
	[sflag:s4] =	ssyncset.s32 $0xFFFFF086  }
0x25: {  	[simem:s6], [sflag:s4] =	dma.local [hbm:s3], $0xF7A  }
0x26: {  	[smem:$0x3F9C] =	sst s1;
	(tag) =	ssettag s2;
	_ =	strace s9  }
0x27: {  	s1 =	sld [smem:$0x3FAC]  }
0x28: {  	s2 =	sld [smem:$0x3FAD]  }
0x29: {  	s4 =	sld [smem:$0x3FAF]  }
0x2a: {  	p0 =	seq.s32 s5, $0x0;
	s5 =	sld [smem:$0x3FB0]  }
0x2b: {  	s6 =	sld [smem:$0x3FB1]  }
0x2c: {  	s7 =	sld [smem:$0x3FB2]  }
0x2d: {  	s3 =	simm.s32 $0x108;
	s8 =	sld [smem:$0x3FB3]  }
0x2e: {  	s3 =	simm.s32 @!p0 $0x1082;
	s9 =	sld [smem:$0x3FB4]  }
0x2f: {  	lr =	sadd.s32 s0, s3;
	s0 =	sld [smem:$0x3FAB]  }
0x30: {  	s3 =	sld [smem:$0x3FAE]  }
0x31: {  	[smem:$0x3FB7] =	sst s10  }
0x32: {  	s10 =	sld [smem:$0x3FB5];
	_ =	sdelay $0x3  }
0x33: {  	p0 =	seq.s32 s10, $0x1;
	s10 =	sld [smem:$0x3FB7];
	_ =	sdelay $0x3  }
0x34: {  	[smem:$0x3FB7] =	sst s10  }
0x35: {  	s10 =	sld [smem:$0x3FB6];
	_ =	sdelay $0x3  }
0x36: {  	p1 =	seq.s32 s10, $0x1;
	s10 =	sld [smem:$0x3FB7];
	_ =	sdelay $0x3  }
0x37: {  	[smem:$0x3FB7] =	sst s10  }
0x38: {  	s10 =	sld [smem:$0x3FB8]  }
0x39: {  	_ = 	snop;
	(pc) =	sbr.ind lr, $3  }
0x3a: {  	_ = 	snop  }
0x3b: {  	_ = 	snop  }
0x3c: {  	p2 =	seq.s32 s10, $0x1;
	s10 =	sld [smem:$0x3FB7]  }
0x3d: {  	_ =	shalt  }
0x3e: {  	_ =	shalt  }
0x3f: {  	_ =	shalt  }
0x40: {  	_ =	shalt  }
0x41: {  	_ =	shalt  }
0x42: {  	_ =	shalt  }
0x43: {  	_ =	shalt  }
0x44: {  	_ =	shalt  }
0x45: {  	_ =	shalt  }
0x46: {  	_ =	shalt  }
0x47: {  	_ =	shalt  }
0x48: {  	_ =	shalt  }
0x49: {  	_ =	shalt  }
0x4a: {  	_ =	shalt  }
0x4b: {  	_ =	shalt  }
0x4c: {  	_ =	shalt  }
0x4d: {  	_ =	shalt  }
0x4e: {  	_ =	shalt  }
0x4f: {  	_ =	shalt  }
0x50: {  	_ =	shalt  }
0x51: {  	_ =	shalt  }
0x52: {  	_ =	shalt  }
0x53: {  	_ =	shalt  }
0x54: {  	_ =	shalt  }
0x55: {  	_ =	shalt  }
0x56: {  	_ =	shalt  }
0x57: {  	_ =	shalt  }
0x58: {  	_ =	shalt  }
0x59: {  	_ =	shalt  }
0x5a: {  	_ =	shalt  }
0x5b: {  	_ =	shalt  }
0x5c: {  	_ =	shalt  }
0x5d: {  	_ =	shalt  }
0x5e: {  	_ =	shalt  }
0x5f: {  	_ =	shalt  }
0x60: {  	_ =	shalt  }
0x61: {  	_ =	shalt  }
0x62: {  	_ =	shalt  }
0x63: {  	_ =	shalt  }
0x64: {  	_ =	shalt  }
0x65: {  	_ =	shalt  }
0x66: {  	_ =	shalt  }
0x67: {  	_ =	shalt  }
0x68: {  	_ =	shalt  }
0x69: {  	_ =	shalt  }
0x6a: {  	_ =	shalt  }
0x6b: {  	_ =	shalt  }
0x6c: {  	_ =	shalt  }
0x6d: {  	_ =	shalt  }
0x6e: {  	_ =	shalt  }
0x6f: {  	_ =	shalt  }
0x70: {  	_ =	shalt  }
0x71: {  	_ =	shalt  }
0x72: {  	_ =	shalt  }
0x73: {  	_ =	shalt  }
0x74: {  	_ =	shalt  }
0x75: {  	_ =	shalt  }
0x76: {  	_ =	shalt  }
0x77: {  	_ =	shalt  }
0x78: {  	_ =	shalt  }
0x79: {  	_ =	shalt  }
0x7a: {  	_ =	shalt  }
0x7b: {  	_ =	shalt  }
0x7c: {  	_ =	shalt  }
0x7d: {  	_ =	shalt  }
0x7e: {  	_ =	shalt  }
0x7f: {  	_ =	shalt  }
0x80: {  	_ =	shalt  }
0x81: {  	_ =	shalt  }
0x82: {  	_ =	shalt  }
0x83: {  	_ =	shalt  }
0x84: {  	_ =	shalt  }
0x85: {  	_ =	shalt  }
0x86: {  	_ =	shalt  }
0x87: {  	_ =	shalt  }
.Lfunc_end0:
.L_simem_size_0:
called_computation_lowered:
.L_overlay_start_0:
0x88: {  	s2 =	sld [smem:$0x3FD9]  }
0x89: {  	s3 =	sld [smem:$0x3FFE];
	_ =	sdelay $0x1  }
0x8a: {  	s1 =	srdreg.scid  }
0x8b: {  	s0 =	sand.u32 $0x1, s1  }
0x8c: {  	s17 =	sshll.u32 s0, $0xA;
	s2 =	sadd.s32 s3, s2  }
0x8d: {  	s2 =	sadd.s32 s2, s17  }
0x8e: {  	[smem:$0x3FC3] =	sst s2  }
0x8f: {  	_ = 	snop  }
0x90: {  	s2 =	sld [smem:$0x3FD0];
	(tm) =	ssettm $0x1  }
0x91: {  	s18 =	sld [smem:$0x3FFB];
	_ =	sdelay $0x3  }
0x92: {  	_ =	strace s18  }
0x93: {  	s3 =	sld [smem:$0x3FFC];
	_ =	sdelay $0x3  }
0x94: {  	_ =	strace s3  }
0x95: {  	s3 =	sld [smem:$0x3FFD];
	_ =	sdelay $0x3  }
0x96: {  	_ =	strace s3  }
0x97: {  	_ =	strace $0x8FFFFFFF  }
0x98: {  	s19 =	sld [smem:$0x3FDB];
	_ =	sdelay $0x1  }
0x99: {  	s4 =	simm.s32 $_scs_section_size  }
0x9a: {  	s5 =	simm.s32 $_size__tile_overlayer_lowered;
	s6 =	simm.s32 $_tile_overlayer_lowered  }
0x9b: {  	s22 =	simm.s32 $0x1BFF;
	s21 =	sshll.u32 s6, $0x1;
	s3 =	sadd.s32 s4, s19  }
0x9c: {  	s7 =	simm.s32 $0x0;
	s20 =	sshll.u32 s5, $0x1;
	s5 =	sadd.s32 s21, s3  }
0x9d: {  	[timem:s7], [sflag:s22] =	dma.local [hbm:s5], s20  }
0x9e: {  	_ =	swait.ge [sflag:s22], s20  }
0x9f: {  	s4 =	ssub.s32 $0x0, s20;
	[sflag:s22] =	ssyncset.done $0x0  }
0xa0: {  	[sflag:s22] =	ssyncadd.s32 s4;
	_ =	sdelay $0x1  }
0xa1: {  	s23 =	simm.s32 $0x1B8B  }
0xa2: {  	_ =	swait.ge [sflag:s23], $0x1  }
0xa3: {  	[sflag:s23] =	ssyncset.done $0x0  }
0xa4: {  	s25 =	simm.s32 $0x1B8E;
	s24 =	sld [smem:$0x3FFE];
	[sflag:s23] =	ssyncadd.s32 $0xFFFFFFFF  }
0xa5: {  	s26 =	simm.s32 $execute0_lowered;
	[smem:$0x3FD2] =	sst s25  }
0xa6: {  	s5 =	sshll.u32 s26, $0x1;
	_ =	strace $0x80000046;
	[dreg:$0x1] =	wrdreg $0xFFFFFFFF  }
0xa7: {  	s28 =	simm.s32 $_size_execute0_lowered;
	s3 =	sadd.s32 s3, s5;
	[dreg:$0x0] =	wrdreg $0x0  }
0xa8: {  	s5 =	sshll.u32 s28, $0x1;
	[dreg:$0x2] =	wrdreg s3  }
0xa9: {  	[dreg:$0x3] =	wrdreg s5  }
0xaa: {  	[dreg:$0x4] =	wrdreg $0xC0  }
0xab: {  	_ =	task [dreg:s7], $0x5FFFF  }
0xac: {  	[dreg:$0x1] =	wrdreg $0xFFFFFFFF  }
0xad: {  	[dreg:$0x0] =	wrdreg $0x60  }
0xae: {  	[dreg:$0x2] =	wrdreg s24  }
0xaf: {  	[dreg:$0x3] =	wrdreg s2  }
0xb0: {  	[dreg:$0x4] =	wrdreg $0x9  }
0xb1: {  	_ =	task.clear_ibuf [dreg:s7], $0x5FFFF;
	_ =	strace $0x90000046  }
0xb2: {  	s29 =	simm.s32 $0x9;
	_ =	strace $0x80000048  }
0xb3: {  	_ =	swait.ge [sflag:s29], $0x1  }
0xb4: {  	[sflag:s29] =	ssyncadd.s32 $0xFFFFFFFF  }
0xb5: {  	_ =	strace $0x90000048  }
0xb6: {  	_ =	sfence  }
0xb7: {  	s30 =	sld [smem:$0x0];
	_ =	sdelay $0x2  }
0xb8: {  	s31 =	sshll.u32 s1, $0xD;
	s1 =	sshrl.u32 s1, $0x2  }
0xb9: {  	s3 =	sand.u32 $0x4000, s31;
	s1 =	sadd.s32 s1, s30  }
0xba: {  	s0 =	sor.u32 s3, s0;
	s1 =	sshll.u32 s1, $0x11  }
0xbb: {  	s0 =	sor.u32 s1, s0  }
0xbc: {  	s0 =	sadd.s32 $0x8F2B, s0  }
0xbd: {  	[sflag:s0] =	ssyncadd.remote.s32 $0x1  }
0xbe: {  	_ =	sfence.sel $0xFFFF  }
0xbf: {  	[dreg:$0x0] =	wrdreg $0xFFFFFFFF;
	(pc) =	sbr.abs _section_cstart, $3  }
0xc0: {  	[dreg:$0x1] =	wrdreg $0xFFFFFFFF  }
0xc1: {  	_ =	task.clear_ibuf [dreg:s7], $0x2FFFF;
	_ =	strace $0x9FFFFFFF  }
0xc2: {  	(tm) =	ssettm $0x7FFFFFFF  }
0xc3: {  	_ =	shalt  }
tec
execute0_lowered:
.L_overlay_start_1:
0x0: {  	(tag) =	ssettag $0x1  }
0x1: {  	s0 =	srdreg.scid  }
0x2: {  	s0 =	sand.u32 $0x1, s0  }
0x3: {  	s16 =	stileid.u32;
	s2 =	sshll.u32 s0, $0x4  }
0x4: {  	s2 =	sor.u32 s16, s2  }
0x5: {  	s4 =	smul.u32 $0x680, s2  }
0x6: {  	s1 =	rddreg [dreg:$0x0];
	s2 =	smul.u32 $0x6C00, s2  }
0x7: {  	s3 =	rddreg [dreg:$0x1];
	s28 =	simm.s32 $0x0;
	s4 =	sadd.s32 s4, s1  }
0x8: {  	[smem:$0x7FF] =	sst s28;
	s24 =	sadd.s32 s3, s2;
	s4 =	sadd.s32 $0xC00, s4  }
0x9: {  	_ =	strace $0x80000047;
	s2 =	sadd.s32 $0x2, s24;
	[dreg:$0x3] =	wrdreg s4  }
0xa: {  	s7 =	sadd.s32 $0x4, s24;
	[dreg:$0x4] =	wrdreg s2  }
0xb: {  	s8 =	sadd.s32 $0x6, s24;
	[dreg:$0x5] =	wrdreg s7  }
0xc: {  	s9 =	sadd.s32 $0x8, s24;
	[dreg:$0x6] =	wrdreg s8  }
0xd: {  	s10 =	sadd.s32 $0xA, s24;
	[dreg:$0x7] =	wrdreg s9  }
0xe: {  	s11 =	sadd.s32 $0xC, s24;
	[dreg:$0x8] =	wrdreg s10  }
0xf: {  	s12 =	sadd.s32 $0xE, s24;
	[dreg:$0x9] =	wrdreg s11  }
0x10: {  	s13 =	sadd.s32 $0x10, s24;
	[dreg:$0xa] =	wrdreg s12  }
0x11: {  	s14 =	sadd.s32 $0x12, s24;
	[dreg:$0xb] =	wrdreg s13  }
0x12: {  	s15 =	sadd.s32 $0x14, s24;
	[dreg:$0xc] =	wrdreg s14  }
0x13: {  	s17 =	sadd.s32 $0x16, s24;
	[dreg:$0xd] =	wrdreg s15  }
0x14: {  	s18 =	sadd.s32 $0x18, s24;
	[dreg:$0xe] =	wrdreg s17  }
0x15: {  	s19 =	sadd.s32 $0x1A, s24;
	[dreg:$0xf] =	wrdreg s18  }
0x16: {  	s20 =	sadd.s32 $0x1C, s24;
	[dreg:$0x10] =	wrdreg s19  }
0x17: {  	s21 =	sadd.s32 $0x1E, s24;
	[dreg:$0x11] =	wrdreg s20  }
0x18: {  	s22 =	sadd.s32 $0x20, s24;
	[dreg:$0x12] =	wrdreg s21  }
0x19: {  	s31 =	simm.s32 $0x3;
	s23 =	sadd.s32 $0x22, s24;
	[dreg:$0x13] =	wrdreg s22  }
0x1a: {  	s30 =	simm.s32 $0x1E00;
	s25 =	sadd.s32 $0x24, s24;
	[dreg:$0x14] =	wrdreg s23  }
0x1b: {  	s29 =	simm.s32 $0x2000;
	s26 =	sadd.s32 $0x26, s24;
	[dreg:$0x15] =	wrdreg s25  }
0x1c: {  	p0 =	por $0x0, $0x0;
	s3 =	sadd.s32 $0x28, s24;
	[dreg:$0x16] =	wrdreg s26  }
0x1d: {  	s0 =	ssub.s32 $0x2, s0;
	s5 =	sadd.s32 $0x2C, s24;
	[dreg:$0x17] =	wrdreg s3  }
0x1e: {  	s6 =	sadd.s32 $0x2E, s24;
	s4 =	sadd.s32 $0x2A, s24;
	[dreg:$0x19] =	wrdreg s5  }
0x1f: {  	s7 =	sshrl.u32 s0, $0x1;
	[dreg:$0x1a] =	wrdreg s6;
	s8 =	sadd.s32 $0x30, s24  }
0x20: {  	s9 =	sadd.s32 $0x32, s24;
	s10 =	sadd.s32 $0x27AD000, s1;
	s12 =	simm.s32 $0x200  }
0x21: {  	s11 =	simm.s32 $0x400;
	s3 =	simm.s32 $0x3400;
	[dreg:$0x18] =	wrdreg s4  }
0x22: {  	s13 =	simm.s32 $0x600;
	s2 =	simm.s32 $0x5400;
	[dreg:$0x1b] =	wrdreg s8  }
0x23: {  	s14 =	simm.s32 $0x800;
	s15 =	simm.s32 $0x7400;
	[dreg:$0x1c] =	wrdreg s9  }
0x24: {  	s17 =	simm.s32 $0xA00;
	s18 =	simm.s32 $0xC00;
	[dreg:$0x1d] =	wrdreg s11  }
0x25: {  	s19 =	simm.s32 $0xE00;
	s20 =	simm.s32 $0x1000;
	[dreg:$0x1e] =	wrdreg s13  }
0x26: {  	s21 =	simm.s32 $0x1200;
	s22 =	simm.s32 $0x1400;
	[dreg:$0x1f] =	wrdreg s14  }
0x27: {  	s5 =	simm.s32 $0x10;
	s23 =	simm.s32 $0x1600;
	[smem:$0x7F5] =	sst s17  }
0x28: {  	s6 =	simm.s32 $0x1B0;
	s25 =	simm.s32 $0x1800;
	[smem:$0x7F6] =	sst s18  }
0x29: {  	s26 =	simm.s32 $0x1A00;
	s0 =	ssub.s32 s0, s7;
	[smem:$0x7F7] =	sst s19  }
0x2a: {  	s14 =	simm.s32 $0x9400;
	s13 =	simm.s32 $0xB400;
	[smem:$0x7F8] =	sst s20  }
0x2b: {  	s11 =	simm.s32 $0xD400;
	s8 =	simm.s32 $0xF400;
	[smem:$0x7F9] =	sst s21  }
0x2c: {  	s4 =	simm.s32 $0x1;
	[smem:$0x7FA] =	sst s22;
	s0 =	smax.u32 s0, $0x1  }
0x2d: {  	[smem:$0x7FB] =	sst s23;
	s9 =	simm.s32 $0x11400;
	p1 =	sne.s32 s0, $0x1  }
.Ltmp0:
0x2e: {  	[smem:$0x7FC] =	sst s25;
	s7 =	simm.s32 $0x2;
	(pc) =	sbr.rel @!p1 .LBB2_1-.Ltmp0, $4  }
0x2f: {  	[smem:$0x7FD] =	sst s26;
	s26 =	simm.s32 $0x2200;
	s25 =	simm.s32 $0x2400  }
0x30: {  	s23 =	simm.s32 $0x2600;
	s22 =	simm.s32 $0x2800;
	s21 =	simm.s32 $0x2A00  }
0x31: {  	s20 =	simm.s32 $0x2C00;
	s19 =	simm.s32 $0x2E00;
	s18 =	simm.s32 $0x3000  }
0x32: {  	s17 =	simm.s32 $0x3200;
	s1 =	sadd.s32 $0xFFFFFFFF, s0;
	s0 =	rddreg [dreg:$0x3]  }
0x33: {  	[tilespmem:s28], [sflag:$0x3] =	stream.linear.gather [hbm4b:s0+s28], $0x3400, $0x38;
	[tilespmem:$0x13400] =	vst v63  }
0x34: {  	_ =	swait.ge [sflag:s31], $0x3400  }
0x35: {  	[sflag:s31] =	ssyncset.done $0x0  }
0x36: {  	[sflag:s31] =	ssyncadd.s32 $0xFFFFCC00  }
0x37: {  	[tilespmem:s3], [sflag:$0x1] =	stream.indirect.gather [hbm4b:s10+s12], $0x10, s28, s12, $0xb8;
	[tilespmem:$0x13400] =	vst v63  }
0x38: {  	s0 =	rddreg [dreg:$0x1d]  }
0x39: {  	[tilespmem:s2], [sflag:$0x1] =	stream.indirect.gather [hbm4b:s10+s12], $0x10, s12, s12, $0xb8;
	[tilespmem:$0x13400] =	vst v63  }
0x3a: {  	s16 =	smov.u32 s1;
	s1 =	rddreg [dreg:$0x1e]  }
0x3b: {  	[tilespmem:s15], [sflag:$0x1] =	stream.indirect.gather [hbm4b:s10+s12], $0x10, s0, s12, $0xb8;
	[tilespmem:$0x13400] =	vst v63  }
0x3c: {  	s0 =	rddreg [dreg:$0x1f]  }
0x3d: {  	[tilespmem:s14], [sflag:$0x1] =	stream.indirect.gather [hbm4b:s10+s12], $0x10, s1, s12, $0xb8;
	[tilespmem:$0x13400] =	vst v63  }
0x3e: {  	s1 =	sld [smem:$0x7F5]  }
0x3f: {  	[tilespmem:s13], [sflag:$0x1] =	stream.indirect.gather [hbm4b:s10+s12], $0x10, s0, s12, $0xb8;
	[tilespmem:$0x13400] =	vst v63  }
0x40: {  	s0 =	sld [smem:$0x7F6]  }
0x41: {  	[tilespmem:s11], [sflag:$0x1] =	stream.indirect.gather [hbm4b:s10+s12], $0x10, s1, s12, $0xb8;
	[tilespmem:$0x13400] =	vst v63  }
0x42: {  	_ = 	snop  }
0x43: {  	[tilespmem:s8], [sflag:$0x1] =	stream.indirect.gather [hbm4b:s10+s12], $0x10, s0, s12, $0xb8;
	[tilespmem:$0x13400] =	vst v63  }
0x44: {  	_ =	swait.ge [sflag:s4], $0x2000  }
0x45: {  	[sflag:s4] =	ssyncset.done $0x0  }
0x46: {  	s1 =	sld [smem:$0x7F7];
	[sflag:s4] =	ssyncadd.s32 $0xFFFFE000  }
0x47: {  	[hbm4b:s24+s5] =	stream.strided.scatter [tilespmem:s3], [sflag:$0x2], $0x2000, s6, s5, $0x38;
	[tilespmem:$0x13400] =	vst v63  }
0x48: {  	_ = 	snop  }
0x49: {  	[tilespmem:s9], [sflag:$0x1] =	stream.indirect.gather [hbm4b:s10+s12], $0x10, s1, s12, $0xb8;
	[tilespmem:$0x13400] =	vst v63  }
0x4a: {  	_ =	swait.ge [sflag:s4], $0x2000  }
0x4b: {  	[sflag:s4] =	ssyncset.done $0x0  }
0x4c: {  	s1 =	rddreg [dreg:$0x4];
	[sflag:s4] =	ssyncadd.s32 $0xFFFFE000  }
0x4d: {  	[hbm4b:s1+s5] =	stream.strided.scatter [tilespmem:s2], [sflag:$0x2], $0x2000, s6, s5, $0x38;
	[tilespmem:$0x13400] =	vst v63  }
0x4e: {  	_ =	swait.ge [sflag:s7], $0x2000  }
0x4f: {  	s1 =	sld [smem:$0x7F8]  }
0x50: {  	[sflag:s7] =	ssyncset.done $0x0  }
0x51: {  	[sflag:s7] =	ssyncadd.s32 $0xFFFFE000  }
0x52: {  	[tilespmem:s3], [sflag:$0x1] =	stream.indirect.gather [hbm4b:s10+s12], $0x10, s1, s12, $0xb8;
	[tilespmem:$0x13400] =	vst v63  }
0x53: {  	_ =	swait.ge [sflag:s4], $0x2000  }
0x54: {  	[sflag:s4] =	ssyncset.done $0x0  }
0x55: {  	s1 =	rddreg [dreg:$0x5];
	[sflag:s4] =	ssyncadd.s32 $0xFFFFE000  }
0x56: {  	[hbm4b:s1+s5] =	stream.strided.scatter [tilespmem:s15], [sflag:$0x2], $0x2000, s6, s5, $0x38;
	[tilespmem:$0x13400] =	vst v63  }
0x57: {  	_ =	swait.ge [sflag:s7], $0x2000  }
0x58: {  	s1 =	sld [smem:$0x7F9]  }
0x59: {  	[sflag:s7] =	ssyncset.done $0x0  }
0x5a: {  	[sflag:s7] =	ssyncadd.s32 $0xFFFFE000  }
0x5b: {  	[tilespmem:s2], [sflag:$0x1] =	stream.indirect.gather [hbm4b:s10+s12], $0x10, s1, s12, $0xb8;
	[tilespmem:$0x13400] =	vst v63  }
0x5c: {  	_ =	swait.ge [sflag:s4], $0x2000  }
0x5d: {  	[sflag:s4] =	ssyncset.done $0x0  }
0x5e: {  	s1 =	rddreg [dreg:$0x6];
	[sflag:s4] =	ssyncadd.s32 $0xFFFFE000  }
0x5f: {  	[hbm4b:s1+s5] =	stream.strided.scatter [tilespmem:s14], [sflag:$0x2], $0x2000, s6, s5, $0x38;
	[tilespmem:$0x13400] =	vst v63  }
0x60: {  	_ =	swait.ge [sflag:s7], $0x2000  }
0x61: {  	s1 =	sld [smem:$0x7FA]  }
0x62: {  	[sflag:s7] =	ssyncset.done $0x0  }
0x63: {  	[sflag:s7] =	ssyncadd.s32 $0xFFFFE000  }
0x64: {  	[tilespmem:s15], [sflag:$0x1] =	stream.indirect.gather [hbm4b:s10+s12], $0x10, s1, s12, $0xb8;
	[tilespmem:$0x13400] =	vst v63  }
0x65: {  	_ =	swait.ge [sflag:s4], $0x2000  }
0x66: {  	[sflag:s4] =	ssyncset.done $0x0  }
0x67: {  	s1 =	rddreg [dreg:$0x7];
	[sflag:s4] =	ssyncadd.s32 $0xFFFFE000  }
0x68: {  	[hbm4b:s1+s5] =	stream.strided.scatter [tilespmem:s13], [sflag:$0x2], $0x2000, s6, s5, $0x38;
	[tilespmem:$0x13400] =	vst v63  }
0x69: {  	_ =	swait.ge [sflag:s7], $0x2000  }
0x6a: {  	s1 =	sld [smem:$0x7FB]  }
0x6b: {  	[sflag:s7] =	ssyncset.done $0x0  }
0x6c: {  	[sflag:s7] =	ssyncadd.s32 $0xFFFFE000  }
0x6d: {  	[tilespmem:s14], [sflag:$0x1] =	stream.indirect.gather [hbm4b:s10+s12], $0x10, s1, s12, $0xb8;
	[tilespmem:$0x13400] =	vst v63  }
0x6e: {  	_ =	swait.ge [sflag:s4], $0x2000  }
0x6f: {  	[sflag:s4] =	ssyncset.done $0x0  }
0x70: {  	s1 =	rddreg [dreg:$0x8];
	[sflag:s4] =	ssyncadd.s32 $0xFFFFE000  }
0x71: {  	[hbm4b:s1+s5] =	stream.strided.scatter [tilespmem:s11], [sflag:$0x2], $0x2000, s6, s5, $0x38;
	[tilespmem:$0x13400] =	vst v63  }
0x72: {  	_ =	swait.ge [sflag:s7], $0x2000  }
0x73: {  	s1 =	sld [smem:$0x7FC]  }
0x74: {  	[sflag:s7] =	ssyncset.done $0x0  }
0x75: {  	[sflag:s7] =	ssyncadd.s32 $0xFFFFE000  }
0x76: {  	[tilespmem:s13], [sflag:$0x1] =	stream.indirect.gather [hbm4b:s10+s12], $0x10, s1, s12, $0xb8;
	[tilespmem:$0x13400] =	vst v63  }
0x77: {  	_ =	swait.ge [sflag:s4], $0x2000  }
0x78: {  	[sflag:s4] =	ssyncset.done $0x0  }
0x79: {  	s1 =	rddreg [dreg:$0x9];
	[sflag:s4] =	ssyncadd.s32 $0xFFFFE000  }
0x7a: {  	[hbm4b:s1+s5] =	stream.strided.scatter [tilespmem:s8], [sflag:$0x2], $0x2000, s6, s5, $0x38;
	[tilespmem:$0x13400] =	vst v63  }
0x7b: {  	_ =	swait.ge [sflag:s7], $0x2000  }
0x7c: {  	s1 =	sld [smem:$0x7FD]  }
0x7d: {  	[sflag:s7] =	ssyncset.done $0x0  }
0x7e: {  	[sflag:s7] =	ssyncadd.s32 $0xFFFFE000  }
0x7f: {  	[tilespmem:s11], [sflag:$0x1] =	stream.indirect.gather [hbm4b:s10+s12], $0x10, s1, s12, $0xb8;
	[tilespmem:$0x13400] =	vst v63  }
0x80: {  	_ =	swait.ge [sflag:s4], $0x2000  }
0x81: {  	[sflag:s4] =	ssyncset.done $0x0  }
0x82: {  	s1 =	rddreg [dreg:$0xa];
	[sflag:s4] =	ssyncadd.s32 $0xFFFFE000  }
0x83: {  	[hbm4b:s1+s5] =	stream.strided.scatter [tilespmem:s9], [sflag:$0x2], $0x2000, s6, s5, $0x38;
	[tilespmem:$0x13400] =	vst v63  }
0x84: {  	_ =	swait.ge [sflag:s7], $0x2000  }
0x85: {  	[sflag:s7] =	ssyncset.done $0x0  }
0x86: {  	s1 =	simm.s32 $0x1C00;
	[sflag:s7] =	ssyncadd.s32 $0xFFFFE000  }
0x87: {  	[tilespmem:s8], [sflag:$0x1] =	stream.indirect.gather [hbm4b:s10+s12], $0x10, s1, s12, $0xb8;
	[tilespmem:$0x13400] =	vst v63  }
0x88: {  	_ =	swait.ge [sflag:s4], $0x2000  }
0x89: {  	[sflag:s4] =	ssyncset.done $0x0  }
0x8a: {  	s1 =	rddreg [dreg:$0xb];
	[sflag:s4] =	ssyncadd.s32 $0xFFFFE000  }
0x8b: {  	[hbm4b:s1+s5] =	stream.strided.scatter [tilespmem:s3], [sflag:$0x2], $0x2000, s6, s5, $0x38;
	[tilespmem:$0x13400] =	vst v63  }
0x8c: {  	_ =	swait.ge [sflag:s7], $0x2000  }
0x8d: {  	[sflag:s7] =	ssyncset.done $0x0  }
0x8e: {  	[sflag:s7] =	ssyncadd.s32 $0xFFFFE000  }
0x8f: {  	[tilespmem:s9], [sflag:$0x1] =	stream.indirect.gather [hbm4b:s10+s12], $0x10, s30, s12, $0xb8;
	[tilespmem:$0x13400] =	vst v63  }
0x90: {  	_ =	swait.ge [sflag:s4], $0x2000  }
0x91: {  	[sflag:s4] =	ssyncset.done $0x0  }
0x92: {  	s1 =	rddreg [dreg:$0xc];
	[sflag:s4] =	ssyncadd.s32 $0xFFFFE000  }
0x93: {  	[hbm4b:s1+s5] =	stream.strided.scatter [tilespmem:s2], [sflag:$0x2], $0x2000, s6, s5, $0x38;
	[tilespmem:$0x13400] =	vst v63  }
0x94: {  	_ =	swait.ge [sflag:s7], $0x2000  }
0x95: {  	[sflag:s7] =	ssyncset.done $0x0  }
0x96: {  	[sflag:s7] =	ssyncadd.s32 $0xFFFFE000  }
0x97: {  	[tilespmem:s3], [sflag:$0x1] =	stream.indirect.gather [hbm4b:s10+s12], $0x10, s29, s12, $0xb8;
	[tilespmem:$0x13400] =	vst v63  }
0x98: {  	_ =	swait.ge [sflag:s4], $0x2000  }
0x99: {  	[sflag:s4] =	ssyncset.done $0x0  }
0x9a: {  	s1 =	rddreg [dreg:$0xd];
	[sflag:s4] =	ssyncadd.s32 $0xFFFFE000  }
0x9b: {  	[hbm4b:s1+s5] =	stream.strided.scatter [tilespmem:s15], [sflag:$0x2], $0x2000, s6, s5, $0x38;
	[tilespmem:$0x13400] =	vst v63  }
0x9c: {  	_ =	swait.ge [sflag:s7], $0x2000  }
0x9d: {  	[sflag:s7] =	ssyncset.done $0x0  }
0x9e: {  	[sflag:s7] =	ssyncadd.s32 $0xFFFFE000  }
0x9f: {  	[tilespmem:s2], [sflag:$0x1] =	stream.indirect.gather [hbm4b:s10+s12], $0x10, s26, s12, $0xb8;
	[tilespmem:$0x13400] =	vst v63  }
0xa0: {  	_ =	swait.ge [sflag:s4], $0x2000  }
0xa1: {  	[sflag:s4] =	ssyncset.done $0x0  }
0xa2: {  	s1 =	rddreg [dreg:$0xe];
	[sflag:s4] =	ssyncadd.s32 $0xFFFFE000  }
0xa3: {  	[hbm4b:s1+s5] =	stream.strided.scatter [tilespmem:s14], [sflag:$0x2], $0x2000, s6, s5, $0x38;
	[tilespmem:$0x13400] =	vst v63  }
0xa4: {  	_ =	swait.ge [sflag:s7], $0x2000  }
0xa5: {  	[sflag:s7] =	ssyncset.done $0x0  }
0xa6: {  	[sflag:s7] =	ssyncadd.s32 $0xFFFFE000  }
0xa7: {  	[tilespmem:s15], [sflag:$0x1] =	stream.indirect.gather [hbm4b:s10+s12], $0x10, s25, s12, $0xb8;
	[tilespmem:$0x13400] =	vst v63  }
0xa8: {  	_ =	swait.ge [sflag:s4], $0x2000  }
0xa9: {  	[sflag:s4] =	ssyncset.done $0x0  }
0xaa: {  	s1 =	rddreg [dreg:$0xf];
	[sflag:s4] =	ssyncadd.s32 $0xFFFFE000  }
0xab: {  	[hbm4b:s1+s5] =	stream.strided.scatter [tilespmem:s13], [sflag:$0x2], $0x2000, s6, s5, $0x38;
	[tilespmem:$0x13400] =	vst v63  }
0xac: {  	_ =	swait.ge [sflag:s7], $0x2000  }
0xad: {  	[sflag:s7] =	ssyncset.done $0x0  }
0xae: {  	[sflag:s7] =	ssyncadd.s32 $0xFFFFE000  }
0xaf: {  	[tilespmem:s14], [sflag:$0x1] =	stream.indirect.gather [hbm4b:s10+s12], $0x10, s23, s12, $0xb8;
	[tilespmem:$0x13400] =	vst v63  }
0xb0: {  	_ =	swait.ge [sflag:s4], $0x2000  }
0xb1: {  	[sflag:s4] =	ssyncset.done $0x0  }
0xb2: {  	s1 =	rddreg [dreg:$0x10];
	[sflag:s4] =	ssyncadd.s32 $0xFFFFE000  }
0xb3: {  	[hbm4b:s1+s5] =	stream.strided.scatter [tilespmem:s11], [sflag:$0x2], $0x2000, s6, s5, $0x38;
	[tilespmem:$0x13400] =	vst v63  }
0xb4: {  	_ =	swait.ge [sflag:s7], $0x2000  }
0xb5: {  	[sflag:s7] =	ssyncset.done $0x0  }
0xb6: {  	[sflag:s7] =	ssyncadd.s32 $0xFFFFE000  }
0xb7: {  	[tilespmem:s13], [sflag:$0x1] =	stream.indirect.gather [hbm4b:s10+s12], $0x10, s22, s12, $0xb8;
	[tilespmem:$0x13400] =	vst v63  }
0xb8: {  	_ =	swait.ge [sflag:s4], $0x2000  }
0xb9: {  	[sflag:s4] =	ssyncset.done $0x0  }
0xba: {  	s1 =	rddreg [dreg:$0x11];
	[sflag:s4] =	ssyncadd.s32 $0xFFFFE000  }
0xbb: {  	[hbm4b:s1+s5] =	stream.strided.scatter [tilespmem:s8], [sflag:$0x2], $0x2000, s6, s5, $0x38;
	[tilespmem:$0x13400] =	vst v63  }
0xbc: {  	_ =	swait.ge [sflag:s7], $0x2000  }
0xbd: {  	[sflag:s7] =	ssyncset.done $0x0  }
0xbe: {  	[sflag:s7] =	ssyncadd.s32 $0xFFFFE000  }
0xbf: {  	[tilespmem:s11], [sflag:$0x1] =	stream.indirect.gather [hbm4b:s10+s12], $0x10, s21, s12, $0xb8;
	[tilespmem:$0x13400] =	vst v63  }
0xc0: {  	_ =	swait.ge [sflag:s4], $0x2000  }
0xc1: {  	[sflag:s4] =	ssyncset.done $0x0  }
0xc2: {  	s1 =	rddreg [dreg:$0x12];
	[sflag:s4] =	ssyncadd.s32 $0xFFFFE000  }
0xc3: {  	[hbm4b:s1+s5] =	stream.strided.scatter [tilespmem:s9], [sflag:$0x2], $0x2000, s6, s5, $0x38;
	[tilespmem:$0x13400] =	vst v63  }
0xc4: {  	_ =	swait.ge [sflag:s7], $0x2000  }
0xc5: {  	[sflag:s7] =	ssyncset.done $0x0  }
0xc6: {  	[sflag:s7] =	ssyncadd.s32 $0xFFFFE000  }
0xc7: {  	[tilespmem:s8], [sflag:$0x1] =	stream.indirect.gather [hbm4b:s10+s12], $0x10, s20, s12, $0xb8;
	[tilespmem:$0x13400] =	vst v63  }
0xc8: {  	_ =	swait.ge [sflag:s4], $0x2000  }
0xc9: {  	[sflag:s4] =	ssyncset.done $0x0  }
0xca: {  	s1 =	rddreg [dreg:$0x13];
	[sflag:s4] =	ssyncadd.s32 $0xFFFFE000  }
0xcb: {  	[hbm4b:s1+s5] =	stream.strided.scatter [tilespmem:s3], [sflag:$0x2], $0x2000, s6, s5, $0x38;
	[tilespmem:$0x13400] =	vst v63  }
0xcc: {  	_ =	swait.ge [sflag:s7], $0x2000  }
0xcd: {  	[sflag:s7] =	ssyncset.done $0x0  }
0xce: {  	[sflag:s7] =	ssyncadd.s32 $0xFFFFE000  }
0xcf: {  	[tilespmem:s9], [sflag:$0x1] =	stream.indirect.gather [hbm4b:s10+s12], $0x10, s19, s12, $0xb8;
	[tilespmem:$0x13400] =	vst v63  }
0xd0: {  	_ =	swait.ge [sflag:s4], $0x2000  }
0xd1: {  	[sflag:s4] =	ssyncset.done $0x0  }
0xd2: {  	s1 =	rddreg [dreg:$0x14];
	[sflag:s4] =	ssyncadd.s32 $0xFFFFE000  }
0xd3: {  	[hbm4b:s1+s5] =	stream.strided.scatter [tilespmem:s2], [sflag:$0x2], $0x2000, s6, s5, $0x38;
	[tilespmem:$0x13400] =	vst v63  }
0xd4: {  	_ =	swait.ge [sflag:s7], $0x2000  }
0xd5: {  	[sflag:s7] =	ssyncset.done $0x0  }
0xd6: {  	[sflag:s7] =	ssyncadd.s32 $0xFFFFE000  }
0xd7: {  	[tilespmem:s3], [sflag:$0x1] =	stream.indirect.gather [hbm4b:s10+s12], $0x10, s18, s12, $0xb8;
	[tilespmem:$0x13400] =	vst v63  }
0xd8: {  	_ =	swait.ge [sflag:s4], $0x2000  }
0xd9: {  	[sflag:s4] =	ssyncset.done $0x0  }
0xda: {  	s1 =	rddreg [dreg:$0x15];
	[sflag:s4] =	ssyncadd.s32 $0xFFFFE000  }
0xdb: {  	[hbm4b:s1+s5] =	stream.strided.scatter [tilespmem:s15], [sflag:$0x2], $0x2000, s6, s5, $0x38;
	[tilespmem:$0x13400] =	vst v63  }
0xdc: {  	_ =	swait.ge [sflag:s7], $0x2000  }
0xdd: {  	[sflag:s7] =	ssyncset.done $0x0  }
0xde: {  	[sflag:s7] =	ssyncadd.s32 $0xFFFFE000  }
0xdf: {  	[tilespmem:s2], [sflag:$0x1] =	stream.indirect.gather [hbm4b:s10+s12], $0x10, s17, s12, $0xb8;
	[tilespmem:$0x13400] =	vst v63  }
0xe0: {  	_ =	swait.ge [sflag:s4], $0x2000  }
0xe1: {  	[sflag:s4] =	ssyncset.done $0x0  }
0xe2: {  	s1 =	rddreg [dreg:$0x16];
	[sflag:s4] =	ssyncadd.s32 $0xFFFFE000  }
0xe3: {  	[hbm4b:s1+s5] =	stream.strided.scatter [tilespmem:s14], [sflag:$0x2], $0x2000, s6, s5, $0x38;
	[tilespmem:$0x13400] =	vst v63  }
0xe4: {  	_ =	swait.ge [sflag:s7], $0x2000  }
0xe5: {  	[sflag:s7] =	ssyncset.done $0x0  }
0xe6: {  	[sflag:s7] =	ssyncadd.s32 $0xFFFFE000  }
0xe7: {  	_ =	swait.ge [sflag:s4], $0x2000  }
0xe8: {  	[sflag:s4] =	ssyncset.done $0x0  }
0xe9: {  	s1 =	rddreg [dreg:$0x17];
	[sflag:s4] =	ssyncadd.s32 $0xFFFFE000  }
0xea: {  	[hbm4b:s1+s5] =	stream.strided.scatter [tilespmem:s13], [sflag:$0x2], $0x2000, s6, s5, $0x38;
	[tilespmem:$0x13400] =	vst v63  }
0xeb: {  	_ =	swait.ge [sflag:s7], $0x2000  }
0xec: {  	[sflag:s7] =	ssyncset.done $0x0  }
0xed: {  	[sflag:s7] =	ssyncadd.s32 $0xFFFFE000  }
0xee: {  	_ =	swait.ge [sflag:s4], $0x2000  }
0xef: {  	[sflag:s4] =	ssyncset.done $0x0  }
0xf0: {  	s1 =	rddreg [dreg:$0x18];
	[sflag:s4] =	ssyncadd.s32 $0xFFFFE000  }
0xf1: {  	[hbm4b:s1+s5] =	stream.strided.scatter [tilespmem:s11], [sflag:$0x2], $0x2000, s6, s5, $0x38;
	[tilespmem:$0x13400] =	vst v63  }
0xf2: {  	_ =	swait.ge [sflag:s7], $0x2000  }
0xf3: {  	[sflag:s7] =	ssyncset.done $0x0  }
0xf4: {  	[sflag:s7] =	ssyncadd.s32 $0xFFFFE000  }
0xf5: {  	_ =	swait.ge [sflag:s4], $0x2000  }
0xf6: {  	[sflag:s4] =	ssyncset.done $0x0  }
0xf7: {  	s1 =	rddreg [dreg:$0x19];
	[sflag:s4] =	ssyncadd.s32 $0xFFFFE000  }
0xf8: {  	[hbm4b:s1+s5] =	stream.strided.scatter [tilespmem:s8], [sflag:$0x2], $0x2000, s6, s5, $0x38;
	[tilespmem:$0x13400] =	vst v63  }
0xf9: {  	_ =	swait.ge [sflag:s7], $0x2000  }
0xfa: {  	[sflag:s7] =	ssyncset.done $0x0  }
0xfb: {  	[sflag:s7] =	ssyncadd.s32 $0xFFFFE000  }
0xfc: {  	_ =	swait.ge [sflag:s4], $0x2000  }
0xfd: {  	[sflag:s4] =	ssyncset.done $0x0  }
0xfe: {  	s1 =	rddreg [dreg:$0x1a];
	[sflag:s4] =	ssyncadd.s32 $0xFFFFE000  }
0xff: {  	[hbm4b:s1+s5] =	stream.strided.scatter [tilespmem:s9], [sflag:$0x2], $0x2000, s6, s5, $0x38;
	[tilespmem:$0x13400] =	vst v63  }
0x100: {  	_ =	swait.ge [sflag:s7], $0x2000  }
0x101: {  	[sflag:s7] =	ssyncset.done $0x0  }
0x102: {  	[sflag:s7] =	ssyncadd.s32 $0xFFFFE000  }
0x103: {  	_ =	swait.ge [sflag:s4], $0x2000  }
0x104: {  	[sflag:s4] =	ssyncset.done $0x0  }
0x105: {  	s1 =	rddreg [dreg:$0x1b];
	[sflag:s4] =	ssyncadd.s32 $0xFFFFE000  }
0x106: {  	[hbm4b:s1+s5] =	stream.strided.scatter [tilespmem:s3], [sflag:$0x2], $0x2000, s6, s5, $0x38;
	[tilespmem:$0x13400] =	vst v63  }
0x107: {  	_ =	swait.ge [sflag:s7], $0x2000  }
0x108: {  	[sflag:s7] =	ssyncset.done $0x0  }
0x109: {  	[sflag:s7] =	ssyncadd.s32 $0xFFFFE000  }
0x10a: {  	_ =	swait.ge [sflag:s4], $0x2000  }
0x10b: {  	[sflag:s4] =	ssyncset.done $0x0  }
0x10c: {  	p1 =	sne.s32 s16, $0x1;
	s1 =	rddreg [dreg:$0x1c];
	[sflag:s4] =	ssyncadd.s32 $0xFFFFE000  }
0x10d: {  	[hbm4b:s1+s5] =	stream.strided.scatter [tilespmem:s2], [sflag:$0x2], $0x2000, s6, s5, $0x38;
	[tilespmem:$0x13400] =	vst v63  }
.Ltmp1:
0x10e: {  	_ =	swait.ge [sflag:s7], $0x2000;
	(pc) =	sbr.rel @!p1 .LBB2_3-.Ltmp1, $4  }
0x10f: {  	[sflag:s7] =	ssyncset.done $0x0  }
0x110: {  	[sflag:s7] =	ssyncadd.s32 $0xFFFFE000  }
0x111: {  	p0 =	por $0x1, $0x1;
	_ =	swait.ge [sflag:s7], $0x2000  }
0x112: {  	s1 =	sadd.s32 $0xFFFFFFFF, s16;
	s0 =	rddreg [dreg:$0x3];
	[sflag:s7] =	ssyncset.done $0x0  }
.LBB2_4:
0x113: {  	[sflag:s7] =	ssyncadd.s32 $0xFFFFE000  }
0x114: {  	[tilespmem:s28], [sflag:$0x3] =	stream.linear.gather [hbm4b:s0+s28], $0x3400, $0x38;
	[tilespmem:$0x13400] =	vst v63  }
0x115: {  	_ =	swait.ge [sflag:s31], $0x3400  }
0x116: {  	[sflag:s31] =	ssyncset.done $0x0  }
0x117: {  	[sflag:s31] =	ssyncadd.s32 $0xFFFFCC00  }
0x118: {  	[tilespmem:s3], [sflag:$0x1] =	stream.indirect.gather [hbm4b:s10+s12], $0x10, s28, s12, $0xb8;
	[tilespmem:$0x13400] =	vst v63  }
0x119: {  	s0 =	rddreg [dreg:$0x1d]  }
0x11a: {  	[tilespmem:s2], [sflag:$0x1] =	stream.indirect.gather [hbm4b:s10+s12], $0x10, s12, s12, $0xb8;
	[tilespmem:$0x13400] =	vst v63  }
0x11b: {  	s16 =	rddreg [dreg:$0x1e]  }
0x11c: {  	[tilespmem:s15], [sflag:$0x1] =	stream.indirect.gather [hbm4b:s10+s12], $0x10, s0, s12, $0xb8;
	[tilespmem:$0x13400] =	vst v63  }
0x11d: {  	s0 =	rddreg [dreg:$0x1f]  }
0x11e: {  	[tilespmem:s14], [sflag:$0x1] =	stream.indirect.gather [hbm4b:s10+s12], $0x10, s16, s12, $0xb8;
	[tilespmem:$0x13400] =	vst v63  }
0x11f: {  	s16 =	sld [smem:$0x7F5]  }
0x120: {  	[tilespmem:s13], [sflag:$0x1] =	stream.indirect.gather [hbm4b:s10+s12], $0x10, s0, s12, $0xb8;
	[tilespmem:$0x13400] =	vst v63  }
0x121: {  	s0 =	sld [smem:$0x7F6]  }
0x122: {  	[tilespmem:s11], [sflag:$0x1] =	stream.indirect.gather [hbm4b:s10+s12], $0x10, s16, s12, $0xb8;
	[tilespmem:$0x13400] =	vst v63  }
0x123: {  	_ = 	snop  }
0x124: {  	[tilespmem:s8], [sflag:$0x1] =	stream.indirect.gather [hbm4b:s10+s12], $0x10, s0, s12, $0xb8;
	[tilespmem:$0x13400] =	vst v63  }
0x125: {  	_ =	swait.ge [sflag:s4], $0x2000  }
0x126: {  	[sflag:s4] =	ssyncset.done $0x0  }
0x127: {  	s16 =	sld [smem:$0x7F7];
	[sflag:s4] =	ssyncadd.s32 $0xFFFFE000  }
0x128: {  	[hbm4b:s24+s5] =	stream.strided.scatter [tilespmem:s3], [sflag:$0x2], $0x2000, s6, s5, $0x38;
	[tilespmem:$0x13400] =	vst v63  }
0x129: {  	_ = 	snop  }
0x12a: {  	[tilespmem:s9], [sflag:$0x1] =	stream.indirect.gather [hbm4b:s10+s12], $0x10, s16, s12, $0xb8;
	[tilespmem:$0x13400] =	vst v63  }
0x12b: {  	_ =	swait.ge [sflag:s4], $0x2000  }
0x12c: {  	[sflag:s4] =	ssyncset.done $0x0  }
0x12d: {  	s16 =	rddreg [dreg:$0x4];
	[sflag:s4] =	ssyncadd.s32 $0xFFFFE000  }
0x12e: {  	[hbm4b:s16+s5] =	stream.strided.scatter [tilespmem:s2], [sflag:$0x2], $0x2000, s6, s5, $0x38;
	[tilespmem:$0x13400] =	vst v63  }
0x12f: {  	_ =	swait.ge [sflag:s7], $0x2000  }
0x130: {  	s16 =	sld [smem:$0x7F8]  }
0x131: {  	[sflag:s7] =	ssyncset.done $0x0  }
0x132: {  	[sflag:s7] =	ssyncadd.s32 $0xFFFFE000  }
0x133: {  	[tilespmem:s3], [sflag:$0x1] =	stream.indirect.gather [hbm4b:s10+s12], $0x10, s16, s12, $0xb8;
	[tilespmem:$0x13400] =	vst v63  }
0x134: {  	_ =	swait.ge [sflag:s4], $0x2000  }
0x135: {  	[sflag:s4] =	ssyncset.done $0x0  }
0x136: {  	s16 =	rddreg [dreg:$0x5];
	[sflag:s4] =	ssyncadd.s32 $0xFFFFE000  }
0x137: {  	[hbm4b:s16+s5] =	stream.strided.scatter [tilespmem:s15], [sflag:$0x2], $0x2000, s6, s5, $0x38;
	[tilespmem:$0x13400] =	vst v63  }
0x138: {  	_ =	swait.ge [sflag:s7], $0x2000  }
0x139: {  	s16 =	sld [smem:$0x7F9]  }
0x13a: {  	[sflag:s7] =	ssyncset.done $0x0  }
0x13b: {  	[sflag:s7] =	ssyncadd.s32 $0xFFFFE000  }
0x13c: {  	[tilespmem:s2], [sflag:$0x1] =	stream.indirect.gather [hbm4b:s10+s12], $0x10, s16, s12, $0xb8;
	[tilespmem:$0x13400] =	vst v63  }
0x13d: {  	_ =	swait.ge [sflag:s4], $0x2000  }
0x13e: {  	[sflag:s4] =	ssyncset.done $0x0  }
0x13f: {  	s16 =	rddreg [dreg:$0x6];
	[sflag:s4] =	ssyncadd.s32 $0xFFFFE000  }
0x140: {  	[hbm4b:s16+s5] =	stream.strided.scatter [tilespmem:s14], [sflag:$0x2], $0x2000, s6, s5, $0x38;
	[tilespmem:$0x13400] =	vst v63  }
0x141: {  	_ =	swait.ge [sflag:s7], $0x2000  }
0x142: {  	s16 =	sld [smem:$0x7FA]  }
0x143: {  	[sflag:s7] =	ssyncset.done $0x0  }
0x144: {  	[sflag:s7] =	ssyncadd.s32 $0xFFFFE000  }
0x145: {  	[tilespmem:s15], [sflag:$0x1] =	stream.indirect.gather [hbm4b:s10+s12], $0x10, s16, s12, $0xb8;
	[tilespmem:$0x13400] =	vst v63  }
0x146: {  	_ =	swait.ge [sflag:s4], $0x2000  }
0x147: {  	[sflag:s4] =	ssyncset.done $0x0  }
0x148: {  	s16 =	rddreg [dreg:$0x7];
	[sflag:s4] =	ssyncadd.s32 $0xFFFFE000  }
0x149: {  	[hbm4b:s16+s5] =	stream.strided.scatter [tilespmem:s13], [sflag:$0x2], $0x2000, s6, s5, $0x38;
	[tilespmem:$0x13400] =	vst v63  }
0x14a: {  	_ =	swait.ge [sflag:s7], $0x2000  }
0x14b: {  	s16 =	sld [smem:$0x7FB]  }
0x14c: {  	[sflag:s7] =	ssyncset.done $0x0  }
0x14d: {  	[sflag:s7] =	ssyncadd.s32 $0xFFFFE000  }
0x14e: {  	[tilespmem:s14], [sflag:$0x1] =	stream.indirect.gather [hbm4b:s10+s12], $0x10, s16, s12, $0xb8;
	[tilespmem:$0x13400] =	vst v63  }
0x14f: {  	_ =	swait.ge [sflag:s4], $0x2000  }
0x150: {  	[sflag:s4] =	ssyncset.done $0x0  }
0x151: {  	s16 =	rddreg [dreg:$0x8];
	[sflag:s4] =	ssyncadd.s32 $0xFFFFE000  }
0x152: {  	[hbm4b:s16+s5] =	stream.strided.scatter [tilespmem:s11], [sflag:$0x2], $0x2000, s6, s5, $0x38;
	[tilespmem:$0x13400] =	vst v63  }
0x153: {  	_ =	swait.ge [sflag:s7], $0x2000  }
0x154: {  	s16 =	sld [smem:$0x7FC]  }
0x155: {  	[sflag:s7] =	ssyncset.done $0x0  }
0x156: {  	[sflag:s7] =	ssyncadd.s32 $0xFFFFE000  }
0x157: {  	[tilespmem:s13], [sflag:$0x1] =	stream.indirect.gather [hbm4b:s10+s12], $0x10, s16, s12, $0xb8;
	[tilespmem:$0x13400] =	vst v63  }
0x158: {  	_ =	swait.ge [sflag:s4], $0x2000  }
0x159: {  	[sflag:s4] =	ssyncset.done $0x0  }
0x15a: {  	s16 =	rddreg [dreg:$0x9];
	[sflag:s4] =	ssyncadd.s32 $0xFFFFE000  }
0x15b: {  	[hbm4b:s16+s5] =	stream.strided.scatter [tilespmem:s8], [sflag:$0x2], $0x2000, s6, s5, $0x38;
	[tilespmem:$0x13400] =	vst v63  }
0x15c: {  	_ =	swait.ge [sflag:s7], $0x2000  }
0x15d: {  	s16 =	sld [smem:$0x7FD]  }
0x15e: {  	[sflag:s7] =	ssyncset.done $0x0  }
0x15f: {  	[sflag:s7] =	ssyncadd.s32 $0xFFFFE000  }
0x160: {  	[tilespmem:s11], [sflag:$0x1] =	stream.indirect.gather [hbm4b:s10+s12], $0x10, s16, s12, $0xb8;
	[tilespmem:$0x13400] =	vst v63  }
0x161: {  	_ =	swait.ge [sflag:s4], $0x2000  }
0x162: {  	[sflag:s4] =	ssyncset.done $0x0  }
0x163: {  	s16 =	rddreg [dreg:$0xa];
	[sflag:s4] =	ssyncadd.s32 $0xFFFFE000  }
0x164: {  	[hbm4b:s16+s5] =	stream.strided.scatter [tilespmem:s9], [sflag:$0x2], $0x2000, s6, s5, $0x38;
	[tilespmem:$0x13400] =	vst v63  }
0x165: {  	_ =	swait.ge [sflag:s7], $0x2000  }
0x166: {  	[sflag:s7] =	ssyncset.done $0x0  }
0x167: {  	s16 =	simm.s32 $0x1C00;
	[sflag:s7] =	ssyncadd.s32 $0xFFFFE000  }
0x168: {  	[tilespmem:s8], [sflag:$0x1] =	stream.indirect.gather [hbm4b:s10+s12], $0x10, s16, s12, $0xb8;
	[tilespmem:$0x13400] =	vst v63  }
0x169: {  	_ =	swait.ge [sflag:s4], $0x2000  }
0x16a: {  	[sflag:s4] =	ssyncset.done $0x0  }
0x16b: {  	s16 =	rddreg [dreg:$0xb];
	[sflag:s4] =	ssyncadd.s32 $0xFFFFE000  }
0x16c: {  	[hbm4b:s16+s5] =	stream.strided.scatter [tilespmem:s3], [sflag:$0x2], $0x2000, s6, s5, $0x38;
	[tilespmem:$0x13400] =	vst v63  }
0x16d: {  	_ =	swait.ge [sflag:s7], $0x2000  }
0x16e: {  	[sflag:s7] =	ssyncset.done $0x0  }
0x16f: {  	[sflag:s7] =	ssyncadd.s32 $0xFFFFE000  }
0x170: {  	[tilespmem:s9], [sflag:$0x1] =	stream.indirect.gather [hbm4b:s10+s12], $0x10, s30, s12, $0xb8;
	[tilespmem:$0x13400] =	vst v63  }
0x171: {  	_ =	swait.ge [sflag:s4], $0x2000  }
0x172: {  	[sflag:s4] =	ssyncset.done $0x0  }
0x173: {  	s16 =	rddreg [dreg:$0xc];
	[sflag:s4] =	ssyncadd.s32 $0xFFFFE000  }
0x174: {  	[hbm4b:s16+s5] =	stream.strided.scatter [tilespmem:s2], [sflag:$0x2], $0x2000, s6, s5, $0x38;
	[tilespmem:$0x13400] =	vst v63  }
0x175: {  	_ =	swait.ge [sflag:s7], $0x2000  }
0x176: {  	[sflag:s7] =	ssyncset.done $0x0  }
0x177: {  	[sflag:s7] =	ssyncadd.s32 $0xFFFFE000  }
0x178: {  	[tilespmem:s3], [sflag:$0x1] =	stream.indirect.gather [hbm4b:s10+s12], $0x10, s29, s12, $0xb8;
	[tilespmem:$0x13400] =	vst v63  }
0x179: {  	_ =	swait.ge [sflag:s4], $0x2000  }
0x17a: {  	[sflag:s4] =	ssyncset.done $0x0  }
0x17b: {  	s16 =	rddreg [dreg:$0xd];
	[sflag:s4] =	ssyncadd.s32 $0xFFFFE000  }
0x17c: {  	[hbm4b:s16+s5] =	stream.strided.scatter [tilespmem:s15], [sflag:$0x2], $0x2000, s6, s5, $0x38;
	[tilespmem:$0x13400] =	vst v63  }
0x17d: {  	_ =	swait.ge [sflag:s7], $0x2000  }
0x17e: {  	[sflag:s7] =	ssyncset.done $0x0  }
0x17f: {  	[sflag:s7] =	ssyncadd.s32 $0xFFFFE000  }
0x180: {  	[tilespmem:s2], [sflag:$0x1] =	stream.indirect.gather [hbm4b:s10+s12], $0x10, s26, s12, $0xb8;
	[tilespmem:$0x13400] =	vst v63  }
0x181: {  	_ =	swait.ge [sflag:s4], $0x2000  }
0x182: {  	[sflag:s4] =	ssyncset.done $0x0  }
0x183: {  	s16 =	rddreg [dreg:$0xe];
	[sflag:s4] =	ssyncadd.s32 $0xFFFFE000  }
0x184: {  	[hbm4b:s16+s5] =	stream.strided.scatter [tilespmem:s14], [sflag:$0x2], $0x2000, s6, s5, $0x38;
	[tilespmem:$0x13400] =	vst v63  }
0x185: {  	_ =	swait.ge [sflag:s7], $0x2000  }
0x186: {  	[sflag:s7] =	ssyncset.done $0x0  }
0x187: {  	[sflag:s7] =	ssyncadd.s32 $0xFFFFE000  }
0x188: {  	[tilespmem:s15], [sflag:$0x1] =	stream.indirect.gather [hbm4b:s10+s12], $0x10, s25, s12, $0xb8;
	[tilespmem:$0x13400] =	vst v63  }
0x189: {  	_ =	swait.ge [sflag:s4], $0x2000  }
0x18a: {  	[sflag:s4] =	ssyncset.done $0x0  }
0x18b: {  	s16 =	rddreg [dreg:$0xf];
	[sflag:s4] =	ssyncadd.s32 $0xFFFFE000  }
0x18c: {  	[hbm4b:s16+s5] =	stream.strided.scatter [tilespmem:s13], [sflag:$0x2], $0x2000, s6, s5, $0x38;
	[tilespmem:$0x13400] =	vst v63  }
0x18d: {  	_ =	swait.ge [sflag:s7], $0x2000  }
0x18e: {  	[sflag:s7] =	ssyncset.done $0x0  }
0x18f: {  	[sflag:s7] =	ssyncadd.s32 $0xFFFFE000  }
0x190: {  	[tilespmem:s14], [sflag:$0x1] =	stream.indirect.gather [hbm4b:s10+s12], $0x10, s23, s12, $0xb8;
	[tilespmem:$0x13400] =	vst v63  }
0x191: {  	_ =	swait.ge [sflag:s4], $0x2000  }
0x192: {  	[sflag:s4] =	ssyncset.done $0x0  }
0x193: {  	s16 =	rddreg [dreg:$0x10];
	[sflag:s4] =	ssyncadd.s32 $0xFFFFE000  }
0x194: {  	[hbm4b:s16+s5] =	stream.strided.scatter [tilespmem:s11], [sflag:$0x2], $0x2000, s6, s5, $0x38;
	[tilespmem:$0x13400] =	vst v63  }
0x195: {  	_ =	swait.ge [sflag:s7], $0x2000  }
0x196: {  	[sflag:s7] =	ssyncset.done $0x0  }
0x197: {  	[sflag:s7] =	ssyncadd.s32 $0xFFFFE000  }
0x198: {  	[tilespmem:s13], [sflag:$0x1] =	stream.indirect.gather [hbm4b:s10+s12], $0x10, s22, s12, $0xb8;
	[tilespmem:$0x13400] =	vst v63  }
0x199: {  	_ =	swait.ge [sflag:s4], $0x2000  }
0x19a: {  	[sflag:s4] =	ssyncset.done $0x0  }
0x19b: {  	s16 =	rddreg [dreg:$0x11];
	[sflag:s4] =	ssyncadd.s32 $0xFFFFE000  }
0x19c: {  	[hbm4b:s16+s5] =	stream.strided.scatter [tilespmem:s8], [sflag:$0x2], $0x2000, s6, s5, $0x38;
	[tilespmem:$0x13400] =	vst v63  }
0x19d: {  	_ =	swait.ge [sflag:s7], $0x2000  }
0x19e: {  	[sflag:s7] =	ssyncset.done $0x0  }
0x19f: {  	[sflag:s7] =	ssyncadd.s32 $0xFFFFE000  }
0x1a0: {  	[tilespmem:s11], [sflag:$0x1] =	stream.indirect.gather [hbm4b:s10+s12], $0x10, s21, s12, $0xb8;
	[tilespmem:$0x13400] =	vst v63  }
0x1a1: {  	_ =	swait.ge [sflag:s4], $0x2000  }
0x1a2: {  	[sflag:s4] =	ssyncset.done $0x0  }
0x1a3: {  	s16 =	rddreg [dreg:$0x12];
	[sflag:s4] =	ssyncadd.s32 $0xFFFFE000  }
0x1a4: {  	[hbm4b:s16+s5] =	stream.strided.scatter [tilespmem:s9], [sflag:$0x2], $0x2000, s6, s5, $0x38;
	[tilespmem:$0x13400] =	vst v63  }
0x1a5: {  	_ =	swait.ge [sflag:s7], $0x2000  }
0x1a6: {  	[sflag:s7] =	ssyncset.done $0x0  }
0x1a7: {  	[sflag:s7] =	ssyncadd.s32 $0xFFFFE000  }
0x1a8: {  	[tilespmem:s8], [sflag:$0x1] =	stream.indirect.gather [hbm4b:s10+s12], $0x10, s20, s12, $0xb8;
	[tilespmem:$0x13400] =	vst v63  }
0x1a9: {  	_ =	swait.ge [sflag:s4], $0x2000  }
0x1aa: {  	[sflag:s4] =	ssyncset.done $0x0  }
0x1ab: {  	s16 =	rddreg [dreg:$0x13];
	[sflag:s4] =	ssyncadd.s32 $0xFFFFE000  }
0x1ac: {  	[hbm4b:s16+s5] =	stream.strided.scatter [tilespmem:s3], [sflag:$0x2], $0x2000, s6, s5, $0x38;
	[tilespmem:$0x13400] =	vst v63  }
0x1ad: {  	_ =	swait.ge [sflag:s7], $0x2000  }
0x1ae: {  	[sflag:s7] =	ssyncset.done $0x0  }
0x1af: {  	[sflag:s7] =	ssyncadd.s32 $0xFFFFE000  }
0x1b0: {  	[tilespmem:s9], [sflag:$0x1] =	stream.indirect.gather [hbm4b:s10+s12], $0x10, s19, s12, $0xb8;
	[tilespmem:$0x13400] =	vst v63  }
0x1b1: {  	_ =	swait.ge [sflag:s4], $0x2000  }
0x1b2: {  	[sflag:s4] =	ssyncset.done $0x0  }
0x1b3: {  	s16 =	rddreg [dreg:$0x14];
	[sflag:s4] =	ssyncadd.s32 $0xFFFFE000  }
0x1b4: {  	[hbm4b:s16+s5] =	stream.strided.scatter [tilespmem:s2], [sflag:$0x2], $0x2000, s6, s5, $0x38;
	[tilespmem:$0x13400] =	vst v63  }
0x1b5: {  	_ =	swait.ge [sflag:s7], $0x2000  }
0x1b6: {  	[sflag:s7] =	ssyncset.done $0x0  }
0x1b7: {  	[sflag:s7] =	ssyncadd.s32 $0xFFFFE000  }
0x1b8: {  	[tilespmem:s3], [sflag:$0x1] =	stream.indirect.gather [hbm4b:s10+s12], $0x10, s18, s12, $0xb8;
	[tilespmem:$0x13400] =	vst v63  }
0x1b9: {  	_ =	swait.ge [sflag:s4], $0x2000  }
0x1ba: {  	[sflag:s4] =	ssyncset.done $0x0  }
0x1bb: {  	s16 =	rddreg [dreg:$0x15];
	[sflag:s4] =	ssyncadd.s32 $0xFFFFE000  }
0x1bc: {  	[hbm4b:s16+s5] =	stream.strided.scatter [tilespmem:s15], [sflag:$0x2], $0x2000, s6, s5, $0x38;
	[tilespmem:$0x13400] =	vst v63  }
0x1bd: {  	_ =	swait.ge [sflag:s7], $0x2000  }
0x1be: {  	[sflag:s7] =	ssyncset.done $0x0  }
0x1bf: {  	[sflag:s7] =	ssyncadd.s32 $0xFFFFE000  }
0x1c0: {  	[tilespmem:s2], [sflag:$0x1] =	stream.indirect.gather [hbm4b:s10+s12], $0x10, s17, s12, $0xb8;
	[tilespmem:$0x13400] =	vst v63  }
0x1c1: {  	_ =	swait.ge [sflag:s4], $0x2000  }
0x1c2: {  	[sflag:s4] =	ssyncset.done $0x0  }
0x1c3: {  	s16 =	rddreg [dreg:$0x16];
	[sflag:s4] =	ssyncadd.s32 $0xFFFFE000  }
0x1c4: {  	[hbm4b:s16+s5] =	stream.strided.scatter [tilespmem:s14], [sflag:$0x2], $0x2000, s6, s5, $0x38;
	[tilespmem:$0x13400] =	vst v63  }
0x1c5: {  	_ =	swait.ge [sflag:s7], $0x2000  }
0x1c6: {  	[sflag:s7] =	ssyncset.done $0x0  }
0x1c7: {  	[sflag:s7] =	ssyncadd.s32 $0xFFFFE000  }
0x1c8: {  	_ =	swait.ge [sflag:s4], $0x2000  }
0x1c9: {  	[sflag:s4] =	ssyncset.done $0x0  }
0x1ca: {  	s16 =	rddreg [dreg:$0x17];
	[sflag:s4] =	ssyncadd.s32 $0xFFFFE000  }
0x1cb: {  	[hbm4b:s16+s5] =	stream.strided.scatter [tilespmem:s13], [sflag:$0x2], $0x2000, s6, s5, $0x38;
	[tilespmem:$0x13400] =	vst v63  }
0x1cc: {  	_ =	swait.ge [sflag:s7], $0x2000  }
0x1cd: {  	[sflag:s7] =	ssyncset.done $0x0  }
0x1ce: {  	[sflag:s7] =	ssyncadd.s32 $0xFFFFE000  }
0x1cf: {  	_ =	swait.ge [sflag:s4], $0x2000  }
0x1d0: {  	[sflag:s4] =	ssyncset.done $0x0  }
0x1d1: {  	s16 =	rddreg [dreg:$0x18];
	[sflag:s4] =	ssyncadd.s32 $0xFFFFE000  }
0x1d2: {  	[hbm4b:s16+s5] =	stream.strided.scatter [tilespmem:s11], [sflag:$0x2], $0x2000, s6, s5, $0x38;
	[tilespmem:$0x13400] =	vst v63  }
0x1d3: {  	_ =	swait.ge [sflag:s7], $0x2000  }
0x1d4: {  	[sflag:s7] =	ssyncset.done $0x0  }
0x1d5: {  	[sflag:s7] =	ssyncadd.s32 $0xFFFFE000  }
0x1d6: {  	_ =	swait.ge [sflag:s4], $0x2000  }
0x1d7: {  	[sflag:s4] =	ssyncset.done $0x0  }
0x1d8: {  	s16 =	rddreg [dreg:$0x19];
	[sflag:s4] =	ssyncadd.s32 $0xFFFFE000  }
0x1d9: {  	[hbm4b:s16+s5] =	stream.strided.scatter [tilespmem:s8], [sflag:$0x2], $0x2000, s6, s5, $0x38;
	[tilespmem:$0x13400] =	vst v63  }
0x1da: {  	_ =	swait.ge [sflag:s7], $0x2000  }
0x1db: {  	[sflag:s7] =	ssyncset.done $0x0  }
0x1dc: {  	[sflag:s7] =	ssyncadd.s32 $0xFFFFE000  }
0x1dd: {  	_ =	swait.ge [sflag:s4], $0x2000  }
0x1de: {  	[sflag:s4] =	ssyncset.done $0x0  }
0x1df: {  	s16 =	rddreg [dreg:$0x1a];
	[sflag:s4] =	ssyncadd.s32 $0xFFFFE000  }
0x1e0: {  	[hbm4b:s16+s5] =	stream.strided.scatter [tilespmem:s9], [sflag:$0x2], $0x2000, s6, s5, $0x38;
	[tilespmem:$0x13400] =	vst v63  }
0x1e1: {  	_ =	swait.ge [sflag:s7], $0x2000  }
0x1e2: {  	[sflag:s7] =	ssyncset.done $0x0  }
0x1e3: {  	[sflag:s7] =	ssyncadd.s32 $0xFFFFE000  }
0x1e4: {  	_ =	swait.ge [sflag:s4], $0x2000  }
0x1e5: {  	[sflag:s4] =	ssyncset.done $0x0  }
0x1e6: {  	s16 =	rddreg [dreg:$0x1b];
	[sflag:s4] =	ssyncadd.s32 $0xFFFFE000  }
0x1e7: {  	[hbm4b:s16+s5] =	stream.strided.scatter [tilespmem:s3], [sflag:$0x2], $0x2000, s6, s5, $0x38;
	[tilespmem:$0x13400] =	vst v63  }
0x1e8: {  	_ =	swait.ge [sflag:s7], $0x2000  }
0x1e9: {  	[sflag:s7] =	ssyncset.done $0x0  }
0x1ea: {  	[sflag:s7] =	ssyncadd.s32 $0xFFFFE000  }
0x1eb: {  	_ =	swait.ge [sflag:s4], $0x2000  }
0x1ec: {  	[sflag:s4] =	ssyncset.done $0x0  }
0x1ed: {  	p1 =	sne.s32 s1, $0x1;
	s16 =	rddreg [dreg:$0x1c];
	[sflag:s4] =	ssyncadd.s32 $0xFFFFE000  }
0x1ee: {  	[hbm4b:s16+s5] =	stream.strided.scatter [tilespmem:s2], [sflag:$0x2], $0x2000, s6, s5, $0x38;
	[tilespmem:$0x13400] =	vst v63  }
.Ltmp2:
0x1ef: {  	_ =	swait.ge [sflag:s7], $0x2000;
	(pc) =	sbr.rel @p1 .LBB2_4-.Ltmp2, $4  }
0x1f0: {  	[sflag:s7] =	ssyncset.done $0x0  }
0x1f1: {  	[sflag:s7] =	ssyncadd.s32 $0xFFFFE000  }
0x1f2: {  	_ =	swait.ge [sflag:s7], $0x2000  }
0x1f3: {  	s1 =	sadd.s32 $0xFFFFFFFF, s1;
	s0 =	rddreg [dreg:$0x3];
	[sflag:s7] =	ssyncset.done $0x0  }
0x1f4: {  	s17 =	simm.s32 $0x1C00;
	s30 =	simm.s32 $0x1E00;
	s29 =	simm.s32 $0x2000  }
0x1f5: {  	s26 =	simm.s32 $0x2200;
	s25 =	simm.s32 $0x2400;
	s23 =	simm.s32 $0x2600  }
0x1f6: {  	s22 =	simm.s32 $0x2800;
	s21 =	simm.s32 $0x2A00;
	s20 =	simm.s32 $0x2C00  }
0x1f7: {  	s19 =	simm.s32 $0x2E00;
	s18 =	simm.s32 $0x3000;
	s16 =	stileid.u32  }
.LBB2_6:
0x1f8: {  	[sflag:s7] =	ssyncadd.s32 @p0 $0xFFFFE000  }
0x1f9: {  	[tilespmem:s28], [sflag:$0x3] =	stream.linear.gather [hbm4b:s0+s28], $0x3400, $0x38;
	[tilespmem:$0x13400] =	vst v63  }
0x1fa: {  	_ =	swait.ge [sflag:s31], $0x3400  }
0x1fb: {  	[sflag:s31] =	ssyncset.done $0x0  }
0x1fc: {  	[sflag:s31] =	ssyncadd.s32 $0xFFFFCC00  }
0x1fd: {  	[tilespmem:s3], [sflag:$0x1] =	stream.indirect.gather [hbm4b:s10+s12], $0x10, s28, s12, $0xb8;
	[tilespmem:$0x13400] =	vst v63  }
0x1fe: {  	s1 =	rddreg [dreg:$0x1e]  }
0x1ff: {  	[tilespmem:s2], [sflag:$0x1] =	stream.indirect.gather [hbm4b:s10+s12], $0x10, s12, s12, $0xb8;
	[tilespmem:$0x13400] =	vst v63  }
0x200: {  	s31 =	rddreg [dreg:$0x1d]  }
0x201: {  	[tilespmem:s15], [sflag:$0x1] =	stream.indirect.gather [hbm4b:s10+s12], $0x10, s31, s12, $0xb8;
	[tilespmem:$0x13400] =	vst v63  }
0x202: {  	s28 =	rddreg [dreg:$0x1f]  }
0x203: {  	[tilespmem:s14], [sflag:$0x1] =	stream.indirect.gather [hbm4b:s10+s12], $0x10, s1, s12, $0xb8;
	[tilespmem:$0x13400] =	vst v63  }
0x204: {  	s31 =	sld [smem:$0x7F5]  }
0x205: {  	[tilespmem:s13], [sflag:$0x1] =	stream.indirect.gather [hbm4b:s10+s12], $0x10, s28, s12, $0xb8;
	[tilespmem:$0x13400] =	vst v63  }
0x206: {  	s28 =	sld [smem:$0x7F6]  }
0x207: {  	[tilespmem:s11], [sflag:$0x1] =	stream.indirect.gather [hbm4b:s10+s12], $0x10, s31, s12, $0xb8;
	[tilespmem:$0x13400] =	vst v63  }
0x208: {  	_ = 	snop  }
0x209: {  	[tilespmem:s8], [sflag:$0x1] =	stream.indirect.gather [hbm4b:s10+s12], $0x10, s28, s12, $0xb8;
	[tilespmem:$0x13400] =	vst v63  }
0x20a: {  	_ =	swait.ge [sflag:s4], $0x2000  }
0x20b: {  	[sflag:s4] =	ssyncset.done $0x0  }
0x20c: {  	s31 =	sld [smem:$0x7F7];
	[sflag:s4] =	ssyncadd.s32 $0xFFFFE000  }
0x20d: {  	[hbm4b:s24+s5] =	stream.strided.scatter [tilespmem:s3], [sflag:$0x2], $0x2000, s6, s5, $0x38;
	[tilespmem:$0x13400] =	vst v63  }
0x20e: {  	_ = 	snop  }
0x20f: {  	[tilespmem:s9], [sflag:$0x1] =	stream.indirect.gather [hbm4b:s10+s12], $0x10, s31, s12, $0xb8;
	[tilespmem:$0x13400] =	vst v63  }
0x210: {  	_ =	swait.ge [sflag:s4], $0x2000  }
0x211: {  	[sflag:s4] =	ssyncset.done $0x0  }
0x212: {  	s1 =	rddreg [dreg:$0x4];
	[sflag:s4] =	ssyncadd.s32 $0xFFFFE000  }
0x213: {  	[hbm4b:s1+s5] =	stream.strided.scatter [tilespmem:s2], [sflag:$0x2], $0x2000, s6, s5, $0x38;
	[tilespmem:$0x13400] =	vst v63  }
0x214: {  	_ =	swait.ge [sflag:s7], $0x2000  }
0x215: {  	s24 =	sld [smem:$0x7F8]  }
0x216: {  	[sflag:s7] =	ssyncset.done $0x0  }
0x217: {  	[sflag:s7] =	ssyncadd.s32 $0xFFFFE000  }
0x218: {  	[tilespmem:s3], [sflag:$0x1] =	stream.indirect.gather [hbm4b:s10+s12], $0x10, s24, s12, $0xb8;
	[tilespmem:$0x13400] =	vst v63  }
0x219: {  	_ =	swait.ge [sflag:s4], $0x2000  }
0x21a: {  	[sflag:s4] =	ssyncset.done $0x0  }
0x21b: {  	s28 =	rddreg [dreg:$0x5];
	[sflag:s4] =	ssyncadd.s32 $0xFFFFE000  }
0x21c: {  	[hbm4b:s28+s5] =	stream.strided.scatter [tilespmem:s15], [sflag:$0x2], $0x2000, s6, s5, $0x38;
	[tilespmem:$0x13400] =	vst v63  }
0x21d: {  	_ =	swait.ge [sflag:s7], $0x2000  }
0x21e: {  	s31 =	sld [smem:$0x7F9]  }
0x21f: {  	[sflag:s7] =	ssyncset.done $0x0  }
0x220: {  	[sflag:s7] =	ssyncadd.s32 $0xFFFFE000  }
0x221: {  	[tilespmem:s2], [sflag:$0x1] =	stream.indirect.gather [hbm4b:s10+s12], $0x10, s31, s12, $0xb8;
	[tilespmem:$0x13400] =	vst v63  }
0x222: {  	_ =	swait.ge [sflag:s4], $0x2000  }
0x223: {  	[sflag:s4] =	ssyncset.done $0x0  }
0x224: {  	s1 =	rddreg [dreg:$0x6];
	[sflag:s4] =	ssyncadd.s32 $0xFFFFE000  }
0x225: {  	[hbm4b:s1+s5] =	stream.strided.scatter [tilespmem:s14], [sflag:$0x2], $0x2000, s6, s5, $0x38;
	[tilespmem:$0x13400] =	vst v63  }
0x226: {  	_ =	swait.ge [sflag:s7], $0x2000  }
0x227: {  	s24 =	sld [smem:$0x7FA]  }
0x228: {  	[sflag:s7] =	ssyncset.done $0x0  }
0x229: {  	[sflag:s7] =	ssyncadd.s32 $0xFFFFE000  }
0x22a: {  	[tilespmem:s15], [sflag:$0x1] =	stream.indirect.gather [hbm4b:s10+s12], $0x10, s24, s12, $0xb8;
	[tilespmem:$0x13400] =	vst v63  }
0x22b: {  	_ =	swait.ge [sflag:s4], $0x2000  }
0x22c: {  	[sflag:s4] =	ssyncset.done $0x0  }
0x22d: {  	s28 =	rddreg [dreg:$0x7];
	[sflag:s4] =	ssyncadd.s32 $0xFFFFE000  }
0x22e: {  	[hbm4b:s28+s5] =	stream.strided.scatter [tilespmem:s13], [sflag:$0x2], $0x2000, s6, s5, $0x38;
	[tilespmem:$0x13400] =	vst v63  }
0x22f: {  	_ =	swait.ge [sflag:s7], $0x2000  }
0x230: {  	s31 =	sld [smem:$0x7FB]  }
0x231: {  	[sflag:s7] =	ssyncset.done $0x0  }
0x232: {  	[sflag:s7] =	ssyncadd.s32 $0xFFFFE000  }
0x233: {  	[tilespmem:s14], [sflag:$0x1] =	stream.indirect.gather [hbm4b:s10+s12], $0x10, s31, s12, $0xb8;
	[tilespmem:$0x13400] =	vst v63  }
0x234: {  	_ =	swait.ge [sflag:s4], $0x2000  }
0x235: {  	[sflag:s4] =	ssyncset.done $0x0  }
0x236: {  	s1 =	rddreg [dreg:$0x8];
	[sflag:s4] =	ssyncadd.s32 $0xFFFFE000  }
0x237: {  	[hbm4b:s1+s5] =	stream.strided.scatter [tilespmem:s11], [sflag:$0x2], $0x2000, s6, s5, $0x38;
	[tilespmem:$0x13400] =	vst v63  }
0x238: {  	_ =	swait.ge [sflag:s7], $0x2000  }
0x239: {  	s24 =	sld [smem:$0x7FC]  }
0x23a: {  	[sflag:s7] =	ssyncset.done $0x0  }
0x23b: {  	[sflag:s7] =	ssyncadd.s32 $0xFFFFE000  }
0x23c: {  	[tilespmem:s13], [sflag:$0x1] =	stream.indirect.gather [hbm4b:s10+s12], $0x10, s24, s12, $0xb8;
	[tilespmem:$0x13400] =	vst v63  }
0x23d: {  	_ =	swait.ge [sflag:s4], $0x2000  }
0x23e: {  	[sflag:s4] =	ssyncset.done $0x0  }
0x23f: {  	s28 =	rddreg [dreg:$0x9];
	[sflag:s4] =	ssyncadd.s32 $0xFFFFE000  }
0x240: {  	[hbm4b:s28+s5] =	stream.strided.scatter [tilespmem:s8], [sflag:$0x2], $0x2000, s6, s5, $0x38;
	[tilespmem:$0x13400] =	vst v63  }
0x241: {  	_ =	swait.ge [sflag:s7], $0x2000  }
0x242: {  	s31 =	sld [smem:$0x7FD]  }
0x243: {  	[sflag:s7] =	ssyncset.done $0x0  }
0x244: {  	[sflag:s7] =	ssyncadd.s32 $0xFFFFE000  }
0x245: {  	[tilespmem:s11], [sflag:$0x1] =	stream.indirect.gather [hbm4b:s10+s12], $0x10, s31, s12, $0xb8;
	[tilespmem:$0x13400] =	vst v63  }
0x246: {  	_ =	swait.ge [sflag:s4], $0x2000  }
0x247: {  	[sflag:s4] =	ssyncset.done $0x0  }
0x248: {  	s1 =	rddreg [dreg:$0xa];
	[sflag:s4] =	ssyncadd.s32 $0xFFFFE000  }
0x249: {  	[hbm4b:s1+s5] =	stream.strided.scatter [tilespmem:s9], [sflag:$0x2], $0x2000, s6, s5, $0x38;
	[tilespmem:$0x13400] =	vst v63  }
0x24a: {  	_ =	swait.ge [sflag:s7], $0x2000  }
0x24b: {  	[sflag:s7] =	ssyncset.done $0x0  }
0x24c: {  	[sflag:s7] =	ssyncadd.s32 $0xFFFFE000  }
0x24d: {  	[tilespmem:s8], [sflag:$0x1] =	stream.indirect.gather [hbm4b:s10+s12], $0x10, s17, s12, $0xb8;
	[tilespmem:$0x13400] =	vst v63  }
0x24e: {  	_ =	swait.ge [sflag:s4], $0x2000  }
0x24f: {  	[sflag:s4] =	ssyncset.done $0x0  }
0x250: {  	s17 =	rddreg [dreg:$0xb];
	[sflag:s4] =	ssyncadd.s32 $0xFFFFE000  }
0x251: {  	[hbm4b:s17+s5] =	stream.strided.scatter [tilespmem:s3], [sflag:$0x2], $0x2000, s6, s5, $0x38;
	[tilespmem:$0x13400] =	vst v63  }
0x252: {  	_ =	swait.ge [sflag:s7], $0x2000  }
0x253: {  	[sflag:s7] =	ssyncset.done $0x0  }
0x254: {  	[sflag:s7] =	ssyncadd.s32 $0xFFFFE000  }
0x255: {  	[tilespmem:s9], [sflag:$0x1] =	stream.indirect.gather [hbm4b:s10+s12], $0x10, s30, s12, $0xb8;
	[tilespmem:$0x13400] =	vst v63  }
0x256: {  	_ =	swait.ge [sflag:s4], $0x2000  }
0x257: {  	[sflag:s4] =	ssyncset.done $0x0  }
0x258: {  	s24 =	rddreg [dreg:$0xc];
	[sflag:s4] =	ssyncadd.s32 $0xFFFFE000  }
0x259: {  	[hbm4b:s24+s5] =	stream.strided.scatter [tilespmem:s2], [sflag:$0x2], $0x2000, s6, s5, $0x38;
	[tilespmem:$0x13400] =	vst v63  }
0x25a: {  	_ =	swait.ge [sflag:s7], $0x2000  }
0x25b: {  	[sflag:s7] =	ssyncset.done $0x0  }
0x25c: {  	[sflag:s7] =	ssyncadd.s32 $0xFFFFE000  }
0x25d: {  	[tilespmem:s3], [sflag:$0x1] =	stream.indirect.gather [hbm4b:s10+s12], $0x10, s29, s12, $0xb8;
	[tilespmem:$0x13400] =	vst v63  }
0x25e: {  	_ =	swait.ge [sflag:s4], $0x2000  }
0x25f: {  	[sflag:s4] =	ssyncset.done $0x0  }
0x260: {  	s28 =	rddreg [dreg:$0xd];
	[sflag:s4] =	ssyncadd.s32 $0xFFFFE000  }
0x261: {  	[hbm4b:s28+s5] =	stream.strided.scatter [tilespmem:s15], [sflag:$0x2], $0x2000, s6, s5, $0x38;
	[tilespmem:$0x13400] =	vst v63  }
0x262: {  	_ =	swait.ge [sflag:s7], $0x2000  }
0x263: {  	[sflag:s7] =	ssyncset.done $0x0  }
0x264: {  	[sflag:s7] =	ssyncadd.s32 $0xFFFFE000  }
0x265: {  	[tilespmem:s2], [sflag:$0x1] =	stream.indirect.gather [hbm4b:s10+s12], $0x10, s26, s12, $0xb8;
	[tilespmem:$0x13400] =	vst v63  }
0x266: {  	_ =	swait.ge [sflag:s4], $0x2000  }
0x267: {  	[sflag:s4] =	ssyncset.done $0x0  }
0x268: {  	s29 =	rddreg [dreg:$0xe];
	[sflag:s4] =	ssyncadd.s32 $0xFFFFE000  }
0x269: {  	[hbm4b:s29+s5] =	stream.strided.scatter [tilespmem:s14], [sflag:$0x2], $0x2000, s6, s5, $0x38;
	[tilespmem:$0x13400] =	vst v63  }
0x26a: {  	_ =	swait.ge [sflag:s7], $0x2000  }
0x26b: {  	[sflag:s7] =	ssyncset.done $0x0  }
0x26c: {  	[sflag:s7] =	ssyncadd.s32 $0xFFFFE000  }
0x26d: {  	[tilespmem:s15], [sflag:$0x1] =	stream.indirect.gather [hbm4b:s10+s12], $0x10, s25, s12, $0xb8;
	[tilespmem:$0x13400] =	vst v63  }
0x26e: {  	_ =	swait.ge [sflag:s4], $0x2000  }
0x26f: {  	[sflag:s4] =	ssyncset.done $0x0  }
0x270: {  	s30 =	rddreg [dreg:$0xf];
	[sflag:s4] =	ssyncadd.s32 $0xFFFFE000  }
0x271: {  	[hbm4b:s30+s5] =	stream.strided.scatter [tilespmem:s13], [sflag:$0x2], $0x2000, s6, s5, $0x38;
	[tilespmem:$0x13400] =	vst v63  }
0x272: {  	_ =	swait.ge [sflag:s7], $0x2000  }
0x273: {  	[sflag:s7] =	ssyncset.done $0x0  }
0x274: {  	[sflag:s7] =	ssyncadd.s32 $0xFFFFE000  }
0x275: {  	[tilespmem:s14], [sflag:$0x1] =	stream.indirect.gather [hbm4b:s10+s12], $0x10, s23, s12, $0xb8;
	[tilespmem:$0x13400] =	vst v63  }
0x276: {  	_ =	swait.ge [sflag:s4], $0x2000  }
0x277: {  	[sflag:s4] =	ssyncset.done $0x0  }
0x278: {  	s31 =	rddreg [dreg:$0x10];
	[sflag:s4] =	ssyncadd.s32 $0xFFFFE000  }
0x279: {  	[hbm4b:s31+s5] =	stream.strided.scatter [tilespmem:s11], [sflag:$0x2], $0x2000, s6, s5, $0x38;
	[tilespmem:$0x13400] =	vst v63  }
0x27a: {  	_ =	swait.ge [sflag:s7], $0x2000  }
0x27b: {  	[sflag:s7] =	ssyncset.done $0x0  }
0x27c: {  	[sflag:s7] =	ssyncadd.s32 $0xFFFFE000  }
0x27d: {  	[tilespmem:s13], [sflag:$0x1] =	stream.indirect.gather [hbm4b:s10+s12], $0x10, s22, s12, $0xb8;
	[tilespmem:$0x13400] =	vst v63  }
0x27e: {  	_ =	swait.ge [sflag:s4], $0x2000  }
0x27f: {  	[sflag:s4] =	ssyncset.done $0x0  }
0x280: {  	s1 =	rddreg [dreg:$0x11];
	[sflag:s4] =	ssyncadd.s32 $0xFFFFE000  }
0x281: {  	[hbm4b:s1+s5] =	stream.strided.scatter [tilespmem:s8], [sflag:$0x2], $0x2000, s6, s5, $0x38;
	[tilespmem:$0x13400] =	vst v63  }
0x282: {  	_ =	swait.ge [sflag:s7], $0x2000  }
0x283: {  	[sflag:s7] =	ssyncset.done $0x0  }
0x284: {  	[sflag:s7] =	ssyncadd.s32 $0xFFFFE000  }
0x285: {  	[tilespmem:s11], [sflag:$0x1] =	stream.indirect.gather [hbm4b:s10+s12], $0x10, s21, s12, $0xb8;
	[tilespmem:$0x13400] =	vst v63  }
0x286: {  	_ =	swait.ge [sflag:s4], $0x2000  }
0x287: {  	[sflag:s4] =	ssyncset.done $0x0  }
0x288: {  	s17 =	rddreg [dreg:$0x12];
	[sflag:s4] =	ssyncadd.s32 $0xFFFFE000  }
0x289: {  	[hbm4b:s17+s5] =	stream.strided.scatter [tilespmem:s9], [sflag:$0x2], $0x2000, s6, s5, $0x38;
	[tilespmem:$0x13400] =	vst v63  }
0x28a: {  	_ =	swait.ge [sflag:s7], $0x2000  }
0x28b: {  	[sflag:s7] =	ssyncset.done $0x0  }
0x28c: {  	[sflag:s7] =	ssyncadd.s32 $0xFFFFE000  }
0x28d: {  	[tilespmem:s8], [sflag:$0x1] =	stream.indirect.gather [hbm4b:s10+s12], $0x10, s20, s12, $0xb8;
	[tilespmem:$0x13400] =	vst v63  }
0x28e: {  	_ =	swait.ge [sflag:s4], $0x2000  }
0x28f: {  	[sflag:s4] =	ssyncset.done $0x0  }
0x290: {  	s20 =	rddreg [dreg:$0x13];
	[sflag:s4] =	ssyncadd.s32 $0xFFFFE000  }
0x291: {  	[hbm4b:s20+s5] =	stream.strided.scatter [tilespmem:s3], [sflag:$0x2], $0x2000, s6, s5, $0x38;
	[tilespmem:$0x13400] =	vst v63  }
0x292: {  	_ =	swait.ge [sflag:s7], $0x2000  }
0x293: {  	[sflag:s7] =	ssyncset.done $0x0  }
0x294: {  	[sflag:s7] =	ssyncadd.s32 $0xFFFFE000  }
0x295: {  	[tilespmem:s9], [sflag:$0x1] =	stream.indirect.gather [hbm4b:s10+s12], $0x10, s19, s12, $0xb8;
	[tilespmem:$0x13400] =	vst v63  }
0x296: {  	_ =	swait.ge [sflag:s4], $0x2000  }
0x297: {  	[sflag:s4] =	ssyncset.done $0x0  }
0x298: {  	s21 =	rddreg [dreg:$0x14];
	[sflag:s4] =	ssyncadd.s32 $0xFFFFE000  }
0x299: {  	[hbm4b:s21+s5] =	stream.strided.scatter [tilespmem:s2], [sflag:$0x2], $0x2000, s6, s5, $0x38;
	[tilespmem:$0x13400] =	vst v63  }
0x29a: {  	_ =	swait.ge [sflag:s7], $0x2000  }
0x29b: {  	[sflag:s7] =	ssyncset.done $0x0  }
0x29c: {  	[sflag:s7] =	ssyncadd.s32 $0xFFFFE000  }
0x29d: {  	[tilespmem:s3], [sflag:$0x1] =	stream.indirect.gather [hbm4b:s10+s12], $0x10, s18, s12, $0xb8;
	[tilespmem:$0x13400] =	vst v63  }
0x29e: {  	_ =	swait.ge [sflag:s4], $0x2000  }
0x29f: {  	[sflag:s4] =	ssyncset.done $0x0  }
0x2a0: {  	s22 =	rddreg [dreg:$0x15];
	[sflag:s4] =	ssyncadd.s32 $0xFFFFE000  }
0x2a1: {  	[hbm4b:s22+s5] =	stream.strided.scatter [tilespmem:s15], [sflag:$0x2], $0x2000, s6, s5, $0x38;
	[tilespmem:$0x13400] =	vst v63  }
0x2a2: {  	_ =	swait.ge [sflag:s7], $0x2000  }
0x2a3: {  	[sflag:s7] =	ssyncset.done $0x0  }
0x2a4: {  	s23 =	simm.s32 $0x3200;
	[sflag:s7] =	ssyncadd.s32 $0xFFFFE000  }
0x2a5: {  	[tilespmem:s2], [sflag:$0x1] =	stream.indirect.gather [hbm4b:s10+s12], $0x10, s23, s12, $0xb8;
	[tilespmem:$0x13400] =	vst v63  }
0x2a6: {  	_ =	swait.ge [sflag:s4], $0x2000  }
0x2a7: {  	[sflag:s4] =	ssyncset.done $0x0  }
0x2a8: {  	s24 =	rddreg [dreg:$0x16];
	[sflag:s4] =	ssyncadd.s32 $0xFFFFE000  }
0x2a9: {  	[hbm4b:s24+s5] =	stream.strided.scatter [tilespmem:s14], [sflag:$0x2], $0x2000, s6, s5, $0x38;
	[tilespmem:$0x13400] =	vst v63  }
0x2aa: {  	_ =	swait.ge [sflag:s7], $0x2000  }
0x2ab: {  	[sflag:s7] =	ssyncset.done $0x0  }
0x2ac: {  	[sflag:s7] =	ssyncadd.s32 $0xFFFFE000  }
0x2ad: {  	_ =	swait.ge [sflag:s4], $0x2000  }
0x2ae: {  	[sflag:s4] =	ssyncset.done $0x0  }
0x2af: {  	s25 =	rddreg [dreg:$0x17];
	[sflag:s4] =	ssyncadd.s32 $0xFFFFE000  }
0x2b0: {  	[hbm4b:s25+s5] =	stream.strided.scatter [tilespmem:s13], [sflag:$0x2], $0x2000, s6, s5, $0x38;
	[tilespmem:$0x13400] =	vst v63  }
0x2b1: {  	_ =	swait.ge [sflag:s7], $0x2000  }
0x2b2: {  	[sflag:s7] =	ssyncset.done $0x0  }
0x2b3: {  	[sflag:s7] =	ssyncadd.s32 $0xFFFFE000  }
0x2b4: {  	_ =	swait.ge [sflag:s4], $0x2000  }
0x2b5: {  	[sflag:s4] =	ssyncset.done $0x0  }
0x2b6: {  	s26 =	rddreg [dreg:$0x18];
	[sflag:s4] =	ssyncadd.s32 $0xFFFFE000  }
0x2b7: {  	[hbm4b:s26+s5] =	stream.strided.scatter [tilespmem:s11], [sflag:$0x2], $0x2000, s6, s5, $0x38;
	[tilespmem:$0x13400] =	vst v63  }
0x2b8: {  	_ =	swait.ge [sflag:s7], $0x2000  }
0x2b9: {  	[sflag:s7] =	ssyncset.done $0x0  }
0x2ba: {  	[sflag:s7] =	ssyncadd.s32 $0xFFFFE000  }
0x2bb: {  	_ =	swait.ge [sflag:s4], $0x2000  }
0x2bc: {  	[sflag:s4] =	ssyncset.done $0x0  }
0x2bd: {  	s28 =	rddreg [dreg:$0x19];
	[sflag:s4] =	ssyncadd.s32 $0xFFFFE000  }
0x2be: {  	[hbm4b:s28+s5] =	stream.strided.scatter [tilespmem:s8], [sflag:$0x2], $0x2000, s6, s5, $0x38;
	[tilespmem:$0x13400] =	vst v63  }
0x2bf: {  	_ =	swait.ge [sflag:s7], $0x2000  }
0x2c0: {  	[sflag:s7] =	ssyncset.done $0x0  }
0x2c1: {  	[sflag:s7] =	ssyncadd.s32 $0xFFFFE000  }
0x2c2: {  	_ =	swait.ge [sflag:s4], $0x2000  }
0x2c3: {  	[sflag:s4] =	ssyncset.done $0x0  }
0x2c4: {  	s29 =	rddreg [dreg:$0x1a];
	[sflag:s4] =	ssyncadd.s32 $0xFFFFE000  }
0x2c5: {  	[hbm4b:s29+s5] =	stream.strided.scatter [tilespmem:s9], [sflag:$0x2], $0x2000, s6, s5, $0x38;
	[tilespmem:$0x13400] =	vst v63  }
0x2c6: {  	_ =	swait.ge [sflag:s7], $0x2000  }
0x2c7: {  	[sflag:s7] =	ssyncset.done $0x0  }
0x2c8: {  	[sflag:s7] =	ssyncadd.s32 $0xFFFFE000  }
0x2c9: {  	_ =	swait.ge [sflag:s4], $0x2000  }
0x2ca: {  	[sflag:s4] =	ssyncset.done $0x0  }
0x2cb: {  	s30 =	rddreg [dreg:$0x1b];
	[sflag:s4] =	ssyncadd.s32 $0xFFFFE000  }
0x2cc: {  	[hbm4b:s30+s5] =	stream.strided.scatter [tilespmem:s3], [sflag:$0x2], $0x2000, s6, s5, $0x38;
	[tilespmem:$0x13400] =	vst v63  }
0x2cd: {  	_ =	swait.ge [sflag:s7], $0x2000  }
0x2ce: {  	[sflag:s7] =	ssyncset.done $0x0  }
0x2cf: {  	[sflag:s7] =	ssyncadd.s32 $0xFFFFE000  }
0x2d0: {  	_ =	swait.ge [sflag:s4], $0x2000  }
0x2d1: {  	[sflag:s4] =	ssyncset.done $0x0  }
0x2d2: {  	s31 =	rddreg [dreg:$0x1c];
	[sflag:s4] =	ssyncadd.s32 $0xFFFFE000  }
0x2d3: {  	[hbm4b:s31+s5] =	stream.strided.scatter [tilespmem:s2], [sflag:$0x2], $0x2000, s6, s5, $0x38;
	[tilespmem:$0x13400] =	vst v63  }
0x2d4: {  	_ =	swait.ge [sflag:s7], $0x2000  }
0x2d5: {  	[sflag:s7] =	ssyncset.done $0x0  }
0x2d6: {  	[sflag:s7] =	ssyncadd.s32 $0xFFFFE000  }
0x2d7: {  	_ =	swait.ge [sflag:s7], $0x2000  }
0x2d8: {  	[sflag:s7] =	ssyncset.done $0x0  }
0x2d9: {  	[sflag:s7] =	ssyncadd.s32 $0xFFFFE000  }
0x2da: {  	_ =	sfence.sel $0x180000  }
0x2db: {  	[bflag:$0x0] =	sbarrier.arrive $0xFFFF  }
0x2dc: {  	_ =	strace $0x90000047  }
0x2dd: {  	[bflag:$0x2] =	sbarrier.arrive $0xFFFF  }
0x2de: {  	p0 =	sne.s32 s16, $0x0;
	s0 =	rddreg [dreg:$0x2]  }
0x2df: {  	s0 =	sadd.s32 @!p0 $0x100000, s0  }
0x2e0: {  	[sflag:s0] =	ssyncadd.tile.s32 @!p0 $0x1;
	_ =	shalt  }
.LBB2_1:
.Ltmp3:
0x2e1: {  	(pc) =	sbr.rel .LBB2_6-.Ltmp3, $4  }
0x2e2: {  	s17 =	simm.s32 $0x1C00;
	s30 =	simm.s32 $0x1E00  }
0x2e3: {  	s29 =	simm.s32 $0x2000;
	s26 =	simm.s32 $0x2200;
	s25 =	simm.s32 $0x2400  }
0x2e4: {  	s23 =	simm.s32 $0x2600;
	s22 =	simm.s32 $0x2800;
	s21 =	simm.s32 $0x2A00  }
0x2e5: {  	s20 =	simm.s32 $0x2C00;
	s19 =	simm.s32 $0x2E00;
	s18 =	simm.s32 $0x3000  }
.LBB2_3:
.Ltmp4:
0x2e6: {  	(pc) =	sbr.rel .LBB2_6-.Ltmp4, $4  }
0x2e7: {  	s17 =	simm.s32 $0x1C00;
	s30 =	simm.s32 $0x1E00;
	s29 =	simm.s32 $0x2000  }
0x2e8: {  	s26 =	simm.s32 $0x2200;
	s25 =	simm.s32 $0x2400;
	s23 =	simm.s32 $0x2600  }
0x2e9: {  	s22 =	simm.s32 $0x2800;
	s21 =	simm.s32 $0x2A00;
	s20 =	simm.s32 $0x2C00  }
0x2ea: {  	s19 =	simm.s32 $0x2E00;
	s18 =	simm.s32 $0x3000;
	s16 =	stileid.u32  }
.Lfunc_end2:
_tile_overlayer_lowered:
.L_overlay_start_2:
0x2eb: {  	(tag) =	ssettag $0x2  }
0x2ec: {  	s0 =	rddreg [dreg:$0x0];
	s2 =	stileid.u32  }
0x2ed: {  	s1 =	rddreg [dreg:$0x1];
	p0 =	sne.s32 s2, $0x0  }
0x2ee: {  	s3 =	rddreg [dreg:$0x2];
	[bflag:$0x3] =	sbarrier.arrive $0xFFFF;
	s2 =	simm.s32 @!p0 $0x1C03  }
0x2ef: {  	[timem:s3], [sflag:s2] =	dma.local @!p0 [hbm:s0], s1  }
0x2f0: {  	s0 =	simm.s32 @!p0 $0x3  }
0x2f1: {  	_ =	swait.ge @!p0 [sflag:s0], s1  }
0x2f2: {  	s1 =	ssub.s32 @!p0 $0x0, s1;
	[sflag:s0] =	ssyncset.done @!p0 $0x0  }
0x2f3: {  	[sflag:s0] =	ssyncadd.s32 @!p0 s1  }
0x2f4: {  	[bflag:$0x3] =	sbarrier.arrive $0xFFFF  }
0x2f5: {  	_ =	shalt  }

</sc_bundles>
